<compile_context>
chip_gen: v7x
topology: tpu7x:2x2x1
jax: 0.10.2.dev20260603
libtpu: 0.0.44.dev20260713+nightly
codegen_flags: <defaults>
</compile_context>

<pallas_src>
import functools

import jax
import jax.numpy as jnp
from jax import lax
from jax.experimental import pallas as pl
from jax.experimental.pallas import tpu as pltpu
from jax.experimental.pallas import tpu_sc as plsc

NG = 100000
MN = 512
KN = 8
HH = 512
WW = 512
HWPIX = HH * WW

BLK = 2048
NPAD = 100352
GRID = NPAD // BLK

NCORES = 2
NSUB = 16
NTILES = NCORES * NSUB
PPT = HWPIX // NTILES
CHUNK = 2048
NCHUNK = NPAD // CHUNK
LANES = 16


def _dist_block(meansT, nodes):
    mnorm = jnp.sum(meansT * meansT, axis=0, keepdims=True)
    nnorm = jnp.sum(nodes * nodes, axis=1, keepdims=True)
    dot = jnp.dot(nodes, meansT, preferred_element_type=jnp.float32)
    d2 = (mnorm + nnorm) - 2.0 * dot
    return jnp.maximum(jnp.sqrt(jnp.maximum(d2, 0.0)), 1e-6)


def _p1_body(meansT_ref, nodes_ref, packed_ref, sum_ref):
    pid = pl.program_id(0)
    dist = _dist_block(meansT_ref[...], nodes_ref[...])
    d = dist
    s8 = jnp.zeros((1, BLK), jnp.float32)
    riota = lax.broadcasted_iota(jnp.int32, (MN, BLK), 0)
    msk = jnp.zeros((MN, BLK), jnp.bool_)
    for _ in range(KN):
        m = jnp.min(d, axis=0, keepdims=True)
        s8 = s8 + m
        fidx = jnp.min(jnp.where(d == m, riota, MN), axis=0, keepdims=True)
        sel = riota == fidx
        msk = msk | sel
        d = jnp.where(sel, jnp.float32(jnp.inf), d)
    mi = msk.astype(jnp.int32)
    shifts = lax.broadcasted_iota(jnp.int32, (32, 1), 0)
    words = [jnp.sum(mi[w * 32:(w + 1) * 32, :] << shifts, axis=0, keepdims=True)
             for w in range(MN // 32)]
    packed_ref[...] = jnp.concatenate(words, axis=0)
    col = pid * BLK + lax.broadcasted_iota(jnp.int32, (1, BLK), 1)
    total = jnp.sum(jnp.where(col < NG, s8, 0.0))
    @pl.when(pid == 0)
    def _():
        sum_ref[0, 0] = total
    @pl.when(pid != 0)
    def _():
        sum_ref[0, 0] = sum_ref[0, 0] + total


def _p2_body(meansT_ref, packed_ref, sum_ref, nodes_ref, offT_ref, clogT_ref,
             olog_ref, lsc_ref, intr_ref, w2c_ref,
             pix_ref, c0_ref, c1_ref, c2_ref, wv_ref):
    pid = pl.program_id(0)
    meansT = meansT_ref[...]
    dist = _dist_block(meansT, nodes_ref[...])
    tau = sum_ref[0, 0] / jnp.float32(NG * KN) + 1e-6
    packed = packed_ref[...]
    shifts = lax.broadcasted_iota(jnp.int32, (32, 1), 0)
    parts = [(jnp.broadcast_to(packed[w:w + 1, :], (32, BLK)) >> shifts) & 1
             for w in range(MN // 32)]
    msk = jnp.concatenate(parts, axis=0) == 1
    v1 = jnp.min(jnp.where(msk, dist, jnp.float32(jnp.inf)),
                 axis=0, keepdims=True)
    e = jnp.where(msk, jnp.exp((v1 - dist) / tau), 0.0)
    wn = e / jnp.sum(e, axis=0, keepdims=True)
    off = offT_ref[...]
    mo0 = jnp.sum(wn * off[:, 0:1], axis=0, keepdims=True)
    mo1 = jnp.sum(wn * off[:, 1:2], axis=0, keepdims=True)
    mo2 = jnp.sum(wn * off[:, 2:3], axis=0, keepdims=True)
    mt = jnp.concatenate(
        [meansT[0:1, :] + mo0, meansT[1:2, :] + mo1, meansT[2:3, :] + mo2],
        axis=0)
    w2c = w2c_ref[...]
    R = w2c[0:3, 0:3]
    t = w2c[0:3, 3:4]
    pts = jnp.dot(R, mt, preferred_element_type=jnp.float32) + t
    uvw = jnp.dot(intr_ref[...], pts,
                  preferred_element_type=jnp.float32)
    z = jnp.maximum(uvw[2:3, :], 1e-3)
    u = uvw[0:1, :] / z
    v = uvw[1:2, :] / z
    ui = jnp.clip(jnp.round(u), 0.0, WW - 1).astype(jnp.int32)
    vi = jnp.clip(jnp.round(v), 0.0, HH - 1).astype(jnp.int32)
    pix = vi * WW + ui
    opac = jax.nn.sigmoid(olog_ref[...])
    scale = jnp.exp(lsc_ref[...])
    wgt = opac * scale / (z * z)
    col = pid * BLK + lax.broadcasted_iota(jnp.int32, (1, BLK), 1)
    valid = col < NG
    wgt = jnp.where(valid, wgt, 0.0)
    pix_ref[...] = jnp.where(valid, pix, 0)
    c = jax.nn.sigmoid(clogT_ref[...])
    c0_ref[...] = c[0:1, :] * wgt
    c1_ref[...] = c[1:2, :] * wgt
    c2_ref[...] = c[2:3, :] * wgt
    wv_ref[...] = wgt


def _sc_body(pix_hbm, c0_hbm, c1_hbm, c2_hbm, wv_hbm, out_hbm,
             pixb, c0b, c1b, c2b, wvb, acc0, acc1, acc2, accw,
             st0, st1, st2, dsem):
    wid = lax.axis_index("s") * NCORES + lax.axis_index("c")
    base = wid * PPT

    def zero(g, carry):
        s = g * LANES
        z = jnp.zeros((LANES,), jnp.float32)
        acc0[pl.ds(s, LANES)] = z
        acc1[pl.ds(s, LANES)] = z
        acc2[pl.ds(s, LANES)] = z
        accw[pl.ds(s, LANES)] = z
        return carry

    lax.fori_loop(0, PPT // LANES, zero, 0)

    def chunk_body(ci, carry):
        handles = [
            pltpu.async_copy(pix_hbm.at[pl.ds(ci, 1), :], pixb, dsem),
            pltpu.async_copy(c0_hbm.at[pl.ds(ci, 1), :], c0b, dsem),
            pltpu.async_copy(c1_hbm.at[pl.ds(ci, 1), :], c1b, dsem),
            pltpu.async_copy(c2_hbm.at[pl.ds(ci, 1), :], c2b, dsem),
            pltpu.async_copy(wv_hbm.at[pl.ds(ci, 1), :], wvb, dsem),
        ]
        for h in handles:
            h.wait()

        def grp(g, carry2):
            s = g * LANES
            pv = pixb[0, pl.ds(s, LANES)]
            lv = pv - base
            mk = (lv >= 0) & (lv < PPT)
            ls = jnp.where(mk, lv, 0)
            plsc.addupdate_scatter(acc0, [ls], c0b[0, pl.ds(s, LANES)], mask=mk)
            plsc.addupdate_scatter(acc1, [ls], c1b[0, pl.ds(s, LANES)], mask=mk)
            plsc.addupdate_scatter(acc2, [ls], c2b[0, pl.ds(s, LANES)], mask=mk)
            plsc.addupdate_scatter(accw, [ls], wvb[0, pl.ds(s, LANES)], mask=mk)
            return carry2

        return lax.fori_loop(0, CHUNK // LANES, grp, carry)

    lax.fori_loop(0, NCHUNK, chunk_body, 0)

    def norm(g, carry):
        s = g * LANES
        ws = accw[pl.ds(s, LANES)]
        alpha = jnp.clip(ws, 0.0, 1.0)
        sc = alpha / (ws + 1e-6)
        st0[0, pl.ds(s, LANES)] = acc0[pl.ds(s, LANES)] * sc
        st1[0, pl.ds(s, LANES)] = acc1[pl.ds(s, LANES)] * sc
        st2[0, pl.ds(s, LANES)] = acc2[pl.ds(s, LANES)] * sc
        return carry

    lax.fori_loop(0, PPT // LANES, norm, 0)
    pltpu.sync_copy(st0, out_hbm.at[pl.ds(0, 1), pl.ds(base, PPT)])
    pltpu.sync_copy(st1, out_hbm.at[pl.ds(1, 1), pl.ds(base, PPT)])
    pltpu.sync_copy(st2, out_hbm.at[pl.ds(2, 1), pl.ds(base, PPT)])


def kernel(means, log_scales, color_logits, opacity_logits, node_positions,
           node_offsets, intrinsics, world_to_camera, time_index):
    t = jnp.asarray(time_index)
    offsets_t = lax.dynamic_index_in_dim(node_offsets, t, 0, keepdims=False)

    pad = NPAD - NG
    meansT = jnp.pad(jnp.transpose(means), ((0, 0), (0, pad)))
    clogT = jnp.pad(jnp.transpose(color_logits), ((0, 0), (0, pad)))
    olog = jnp.pad(jnp.transpose(opacity_logits), ((0, 0), (0, pad)))
    lsc = jnp.pad(jnp.transpose(log_scales), ((0, 0), (0, pad)))

    packed, s8 = pl.pallas_call(
        _p1_body,
        grid=(GRID,),
        in_specs=[
            pl.BlockSpec((3, BLK), lambda i: (0, i)),
            pl.BlockSpec((MN, 3), lambda i: (0, 0)),
        ],
        out_specs=[
            pl.BlockSpec((MN // 32, BLK), lambda i: (0, i)),
            pl.BlockSpec(memory_space=pltpu.SMEM),
        ],
        out_shape=[
            jax.ShapeDtypeStruct((MN // 32, NPAD), jnp.int32),
            jax.ShapeDtypeStruct((1, 1), jnp.float32),
        ],
        compiler_params=pltpu.CompilerParams(
            dimension_semantics=("arbitrary",)),
    )(meansT, node_positions)

    pix, c0, c1, c2, wv = pl.pallas_call(
        _p2_body,
        grid=(GRID,),
        in_specs=[
            pl.BlockSpec((3, BLK), lambda i: (0, i)),
            pl.BlockSpec((MN // 32, BLK), lambda i: (0, i)),
            pl.BlockSpec(memory_space=pltpu.SMEM),
            pl.BlockSpec((MN, 3), lambda i: (0, 0)),
            pl.BlockSpec((MN, 3), lambda i: (0, 0)),
            pl.BlockSpec((3, BLK), lambda i: (0, i)),
            pl.BlockSpec((1, BLK), lambda i: (0, i)),
            pl.BlockSpec((1, BLK), lambda i: (0, i)),
            pl.BlockSpec((3, 3), lambda i: (0, 0)),
            pl.BlockSpec((4, 4), lambda i: (0, 0)),
        ],
        out_specs=[
            pl.BlockSpec((1, BLK), lambda i: (0, i)),
            pl.BlockSpec((1, BLK), lambda i: (0, i)),
            pl.BlockSpec((1, BLK), lambda i: (0, i)),
            pl.BlockSpec((1, BLK), lambda i: (0, i)),
            pl.BlockSpec((1, BLK), lambda i: (0, i)),
        ],
        out_shape=[
            jax.ShapeDtypeStruct((1, NPAD), jnp.int32),
            jax.ShapeDtypeStruct((1, NPAD), jnp.float32),
            jax.ShapeDtypeStruct((1, NPAD), jnp.float32),
            jax.ShapeDtypeStruct((1, NPAD), jnp.float32),
            jax.ShapeDtypeStruct((1, NPAD), jnp.float32),
        ],
        compiler_params=pltpu.CompilerParams(
            dimension_semantics=("arbitrary",)),
    )(meansT, packed, s8, node_positions, offsets_t, clogT, olog, lsc,
      intrinsics, world_to_camera)

    mesh = plsc.VectorSubcoreMesh(core_axis_name="c", subcore_axis_name="s")
    scatter = pl.kernel(
        _sc_body,
        out_type=jax.ShapeDtypeStruct((3, HWPIX), jnp.float32),
        mesh=mesh,
        compiler_params=pltpu.CompilerParams(needs_layout_passes=False),
        scratch_types=[
            pltpu.VMEM((1, CHUNK), jnp.int32),
            pltpu.VMEM((1, CHUNK), jnp.float32),
            pltpu.VMEM((1, CHUNK), jnp.float32),
            pltpu.VMEM((1, CHUNK), jnp.float32),
            pltpu.VMEM((1, CHUNK), jnp.float32),
            pltpu.VMEM((PPT,), jnp.float32),
            pltpu.VMEM((PPT,), jnp.float32),
            pltpu.VMEM((PPT,), jnp.float32),
            pltpu.VMEM((PPT,), jnp.float32),
            pltpu.VMEM((1, PPT), jnp.float32),
            pltpu.VMEM((1, PPT), jnp.float32),
            pltpu.VMEM((1, PPT), jnp.float32),
            pltpu.SemaphoreType.DMA,
        ],
    )
    out = scatter(pix.reshape(NCHUNK, CHUNK), c0.reshape(NCHUNK, CHUNK),
                  c1.reshape(NCHUNK, CHUNK), c2.reshape(NCHUNK, CHUNK),
                  wv.reshape(NCHUNK, CHUNK))
    return jnp.transpose(out).reshape(HH, WW, 3)

# --- scband reference (transcript-rebuilt; emitter-appended) ---
"""Pipeline reference for scband-dynamic-gaussian-model-37726992728446 (READ-ONLY COPY).

The authoritative reference and input builder live on the scoring server;
editing this copy changes nothing except your own understanding.
"""

import jax, jax.numpy as jnp
import numpy as np

N = 100000   # num_gaussians
M = 512      # num_nodes
K = 8        # k_nearest_nodes
T = 32       # num_frames
H = 512
W = 512
BG = 0.0
INIT_SCALE = 0.01


def setup_inputs(seed: int = 0) -> dict:
    key = jax.random.key(seed)
    ks = jax.random.split(key, 8)
    means = jax.random.normal(ks[0], (N, 3), dtype=jnp.float32) * 0.25 + jnp.array([0.0, 0.0, 1.3], dtype=jnp.float32)
    log_scales = jnp.full((N, 1), jnp.log(jnp.float32(INIT_SCALE)), dtype=jnp.float32)
    color_logits = jax.random.normal(ks[1], (N, 3), dtype=jnp.float32) * 0.1
    opacity_logits = jnp.zeros((N, 1), dtype=jnp.float32)
    node_positions = jax.random.normal(ks[2], (M, 3), dtype=jnp.float32) * 0.3 + jnp.array([0.0, 0.0, 1.3], dtype=jnp.float32)
    node_offsets = 0.01 * jax.random.normal(ks[3], (T, M, 3), dtype=jnp.float32)
    intrinsics = jnp.array([[500.0, 0.0, 256.0], [0.0, 500.0, 256.0], [0.0, 0.0, 1.0]], dtype=jnp.float32) + 0.01 * jax.random.uniform(ks[4], (3, 3), dtype=jnp.float32)
    world_to_camera = jnp.eye(4, dtype=jnp.float32) + 0.01 * jax.random.normal(ks[5], (4, 4), dtype=jnp.float32)
    time_index = 7
    return {
        'means': means,
        'log_scales': log_scales,
        'color_logits': color_logits,
        'opacity_logits': opacity_logits,
        'node_positions': node_positions,
        'node_offsets': node_offsets,
        'intrinsics': intrinsics,
        'world_to_camera': world_to_camera,
        'time_index': time_index,
    }


def _deformed_means(means, node_positions, node_offsets, t):
    # cdist via the ||a||^2 + ||b||^2 - 2ab^T expansion (avoids [N,M,3] temp)
    d2 = (means ** 2).sum(-1, keepdims=True) + (node_positions ** 2).sum(-1)[None, :] - 2.0 * (means @ node_positions.T)
    dist = jnp.sqrt(jnp.clip(d2, 0.0))
    dist = jnp.clip(dist, 1e-6)  # clamp_min
    k = min(K, M)
    neg_vals, inds = jax.lax.top_k(-dist, k)  # smallest distances
    vals = -neg_vals
    mean_d = jax.lax.stop_gradient(vals.mean())  # .detach()
    weights = jax.nn.softmax(-vals / (mean_d + 1e-6), axis=-1)
    offsets = node_offsets[t][inds]  # gather [N, k, 3]
    motion = (weights[..., None] * offsets).sum(axis=1)
    return means + motion


def _render(means_t, colors, opacity, scales, intrinsics, w2c):
    # lightweight point-splat renderer (GaussianRenderer stand-in)
    pts = means_t @ w2c[:3, :3].T + w2c[:3, 3]
    uvw = pts @ intrinsics.T
    z = jnp.clip(uvw[:, 2], 1e-3)
    u = uvw[:, 0] / z
    v = uvw[:, 1] / z
    ui = jnp.clip(jnp.round(u), 0, W - 1).astype(jnp.int32)
    vi = jnp.clip(jnp.round(v), 0, H - 1).astype(jnp.int32)
    pix = vi * W + ui
    w = opacity * scales[:, 0] / (z * z)
    acc = jnp.zeros((H * W, 3), dtype=jnp.float32).at[pix].add(colors * w[:, None])
    wsum = jnp.zeros((H * W,), dtype=jnp.float32).at[pix].add(w)
    alpha = jnp.clip(wsum, 0.0, 1.0)
    img = acc / (wsum[:, None] + 1e-6) * alpha[:, None] + BG * (1.0 - alpha[:, None])
    return img.reshape(H, W, 3)


def reference(means, log_scales, color_logits, opacity_logits, node_positions, node_offsets, intrinsics, world_to_camera, time_index):
    t = jnp.asarray(time_index)
    means_t = _deformed_means(means, node_positions, node_offsets, t)
    colors = jax.nn.sigmoid(color_logits)
    opacity = jax.nn.sigmoid(opacity_logits)[:, 0]
    scales = jnp.exp(log_scales)
    rendered = _render(means_t, colors, opacity, scales, intrinsics, world_to_camera)
    return rendered

if __name__ == "__main__":
    import jax
    _d = setup_inputs()
    print(jax.jit(kernel)(*tuple(_d.values())))

</pallas_src>

<mosaic_0001>
#map = affine_map<(d0, d1) -> (0, 0)>
module attributes {stable_mosaic.version = 14 : i64} {
  func.func @_sc_body(%arg0: i32, %arg1: i32, %arg2: memref<49x2048xi32, #tpu.memory_space<hbm>>, %arg3: memref<49x2048xf32, #tpu.memory_space<hbm>>, %arg4: memref<49x2048xf32, #tpu.memory_space<hbm>>, %arg5: memref<49x2048xf32, #tpu.memory_space<hbm>>, %arg6: memref<49x2048xf32, #tpu.memory_space<hbm>>, %arg7: memref<3x262144xf32, #tpu.memory_space<hbm>>, %arg8: memref<1x2048xi32, #tpu.memory_space<vmem>>, %arg9: memref<1x2048xf32, #tpu.memory_space<vmem>>, %arg10: memref<1x2048xf32, #tpu.memory_space<vmem>>, %arg11: memref<1x2048xf32, #tpu.memory_space<vmem>>, %arg12: memref<1x2048xf32, #tpu.memory_space<vmem>>, %arg13: memref<8192xf32, #tpu.memory_space<vmem>>, %arg14: memref<8192xf32, #tpu.memory_space<vmem>>, %arg15: memref<8192xf32, #tpu.memory_space<vmem>>, %arg16: memref<8192xf32, #tpu.memory_space<vmem>>, %arg17: memref<1x8192xf32, #tpu.memory_space<vmem>>, %arg18: memref<1x8192xf32, #tpu.memory_space<vmem>>, %arg19: memref<1x8192xf32, #tpu.memory_space<vmem>>, %arg20: memref<!tpu.dma_semaphore, #tpu.memory_space<semaphore_mem>>) attributes {dimension_semantics = [#tpu.dimension_semantics<core_parallel>, #tpu.dimension_semantics<subcore_parallel>], iteration_bounds = array<i64: 2, 16>, scalar_prefetch = 0 : i64, scratch_operands = 13 : i64, tpu.core_type = #tpu.core_type<sc_vector_subcore>, window_params = [{transform_indices = #map}, {transform_indices = #map}, {transform_indices = #map}, {transform_indices = #map}, {transform_indices = #map}, {transform_indices = #map}]} {
    %mul3A = arith.constant 2 : i32
    %mul3A_0 = arith.muli %arg1, %mul3A : i32
    %add3A = arith.addi %mul3A_0, %arg0 : i32
    %mul3A_1 = arith.constant 8192 : i32
    %mul3A_2 = arith.muli %add3A, %mul3A_1 : i32
    %scan3A = arith.constant 0 : i32
    %scan3A_3 = arith.constant 0 : i32
    %scan3A_4 = arith.constant 512 : i32
    %scan3A_5 = arith.addi %scan3A_3, %scan3A_4 : i32
    %scan3A_6 = arith.constant 1 : i32
    scf.for %scan3A_20 = %scan3A_3 to %scan3A_5 step %scan3A_6  : i32 {
      %mul3A_21 = arith.constant 16 : i32
      %mul3A_22 = arith.muli %scan3A_20, %mul3A_21 : i32
      %broadcast_in_dim3A = arith.constant 0.000000e+00 : f32
      %broadcast_in_dim3A_23 = vector.broadcast %broadcast_in_dim3A : f32 to vector<16xf32>
      %swap3A = arith.index_cast %mul3A_22 : i32 to index
      %swap3A_24 = tpu.vector_load %arg13[%swap3A] {strides = array<i32>} : memref<8192xf32, #tpu.memory_space<vmem>>, vector<16xf32>,
      tpu.vector_store %arg13[%swap3A], %broadcast_in_dim3A_23 {strides = array<i32>} : memref<8192xf32, #tpu.memory_space<vmem>>, vector<16xf32>,
      %swap3A_25 = arith.index_cast %mul3A_22 : i32 to index
      %swap3A_26 = tpu.vector_load %arg14[%swap3A_25] {strides = array<i32>} : memref<8192xf32, #tpu.memory_space<vmem>>, vector<16xf32>,
      tpu.vector_store %arg14[%swap3A_25], %broadcast_in_dim3A_23 {strides = array<i32>} : memref<8192xf32, #tpu.memory_space<vmem>>, vector<16xf32>,
      %swap3A_27 = arith.index_cast %mul3A_22 : i32 to index
      %swap3A_28 = tpu.vector_load %arg15[%swap3A_27] {strides = array<i32>} : memref<8192xf32, #tpu.memory_space<vmem>>, vector<16xf32>,
      tpu.vector_store %arg15[%swap3A_27], %broadcast_in_dim3A_23 {strides = array<i32>} : memref<8192xf32, #tpu.memory_space<vmem>>, vector<16xf32>,
      %swap3A_29 = arith.index_cast %mul3A_22 : i32 to index
      %swap3A_30 = tpu.vector_load %arg16[%swap3A_29] {strides = array<i32>} : memref<8192xf32, #tpu.memory_space<vmem>>, vector<16xf32>,
      tpu.vector_store %arg16[%swap3A_29], %broadcast_in_dim3A_23 {strides = array<i32>} : memref<8192xf32, #tpu.memory_space<vmem>>, vector<16xf32>,
    }
    %scan3A_7 = arith.constant 512 : i32
    %scan3A_8 = arith.constant 0 : i32
    %scan3A_9 = arith.constant 0 : i32
    %scan3A_10 = arith.constant 49 : i32
    %scan3A_11 = arith.addi %scan3A_9, %scan3A_10 : i32
    %scan3A_12 = arith.constant 1 : i32
    scf.for %scan3A_20 = %scan3A_9 to %scan3A_11 step %scan3A_12  : i32 {
      %dma_start3A = arith.constant 0 : i32
      %dma_start3A_21 = tpu.memref_slice %arg2[%scan3A_20, %dma_start3A] : memref<49x2048xi32, #tpu.memory_space<hbm>> -> memref<1x2048xi32, #tpu.memory_space<hbm>>
      %dma_start3A_22 = arith.constant 0 : i32
      %dma_start3A_23 = tpu.memref_slice %arg2[%scan3A_20, %dma_start3A_22] : memref<49x2048xi32, #tpu.memory_space<hbm>> -> memref<1x2048xi32, #tpu.memory_space<hbm>>
      tpu.enqueue_dma source(%dma_start3A_23 : memref<1x2048xi32, #tpu.memory_space<hbm>>) target(%arg8 : memref<1x2048xi32, #tpu.memory_space<vmem>>) target_semaphore(%arg20 : memref<!tpu.dma_semaphore, #tpu.memory_space<semaphore_mem>>)
      %dma_start3A_24 = arith.constant 0 : i32
      %dma_start3A_25 = tpu.memref_slice %arg3[%scan3A_20, %dma_start3A_24] : memref<49x2048xf32, #tpu.memory_space<hbm>> -> memref<1x2048xf32, #tpu.memory_space<hbm>>
      %dma_start3A_26 = arith.constant 0 : i32
      %dma_start3A_27 = tpu.memref_slice %arg3[%scan3A_20, %dma_start3A_26] : memref<49x2048xf32, #tpu.memory_space<hbm>> -> memref<1x2048xf32, #tpu.memory_space<hbm>>
      tpu.enqueue_dma source(%dma_start3A_27 : memref<1x2048xf32, #tpu.memory_space<hbm>>) target(%arg9 : memref<1x2048xf32, #tpu.memory_space<vmem>>) target_semaphore(%arg20 : memref<!tpu.dma_semaphore, #tpu.memory_space<semaphore_mem>>)
      %dma_start3A_28 = arith.constant 0 : i32
      %dma_start3A_29 = tpu.memref_slice %arg4[%scan3A_20, %dma_start3A_28] : memref<49x2048xf32, #tpu.memory_space<hbm>> -> memref<1x2048xf32, #tpu.memory_space<hbm>>
      %dma_start3A_30 = arith.constant 0 : i32
      %dma_start3A_31 = tpu.memref_slice %arg4[%scan3A_20, %dma_start3A_30] : memref<49x2048xf32, #tpu.memory_space<hbm>> -> memref<1x2048xf32, #tpu.memory_space<hbm>>
      tpu.enqueue_dma source(%dma_start3A_31 : memref<1x2048xf32, #tpu.memory_space<hbm>>) target(%arg10 : memref<1x2048xf32, #tpu.memory_space<vmem>>) target_semaphore(%arg20 : memref<!tpu.dma_semaphore, #tpu.memory_space<semaphore_mem>>)
      %dma_start3A_32 = arith.constant 0 : i32
      %dma_start3A_33 = tpu.memref_slice %arg5[%scan3A_20, %dma_start3A_32] : memref<49x2048xf32, #tpu.memory_space<hbm>> -> memref<1x2048xf32, #tpu.memory_space<hbm>>
      %dma_start3A_34 = arith.constant 0 : i32
      %dma_start3A_35 = tpu.memref_slice %arg5[%scan3A_20, %dma_start3A_34] : memref<49x2048xf32, #tpu.memory_space<hbm>> -> memref<1x2048xf32, #tpu.memory_space<hbm>>
      tpu.enqueue_dma source(%dma_start3A_35 : memref<1x2048xf32, #tpu.memory_space<hbm>>) target(%arg11 : memref<1x2048xf32, #tpu.memory_space<vmem>>) target_semaphore(%arg20 : memref<!tpu.dma_semaphore, #tpu.memory_space<semaphore_mem>>)
      %dma_start3A_36 = arith.constant 0 : i32
      %dma_start3A_37 = tpu.memref_slice %arg6[%scan3A_20, %dma_start3A_36] : memref<49x2048xf32, #tpu.memory_space<hbm>> -> memref<1x2048xf32, #tpu.memory_space<hbm>>
      %dma_start3A_38 = arith.constant 0 : i32
      %dma_start3A_39 = tpu.memref_slice %arg6[%scan3A_20, %dma_start3A_38] : memref<49x2048xf32, #tpu.memory_space<hbm>> -> memref<1x2048xf32, #tpu.memory_space<hbm>>
      tpu.enqueue_dma source(%dma_start3A_39 : memref<1x2048xf32, #tpu.memory_space<hbm>>) target(%arg12 : memref<1x2048xf32, #tpu.memory_space<vmem>>) target_semaphore(%arg20 : memref<!tpu.dma_semaphore, #tpu.memory_space<semaphore_mem>>)
      %dma_wait3A = arith.constant 0 : i32
      %dma_wait3A_40 = tpu.memref_slice %arg2[%scan3A_20, %dma_wait3A] : memref<49x2048xi32, #tpu.memory_space<hbm>> -> memref<1x2048xi32, #tpu.memory_space<hbm>>
      %dma_wait3A_41 = arith.constant 0 : i32
      %dma_wait3A_42 = tpu.memref_slice %arg2[%scan3A_20, %dma_wait3A_41] : memref<49x2048xi32, #tpu.memory_space<hbm>> -> memref<1x2048xi32, #tpu.memory_space<hbm>>
      tpu.wait_dma2 semaphore(%arg20 : memref<!tpu.dma_semaphore, #tpu.memory_space<semaphore_mem>>) src(%dma_wait3A_42 : memref<1x2048xi32, #tpu.memory_space<hbm>>) dst(%arg8 : memref<1x2048xi32, #tpu.memory_space<vmem>>)
      %dma_wait3A_43 = arith.constant 0 : i32
      %dma_wait3A_44 = tpu.memref_slice %arg3[%scan3A_20, %dma_wait3A_43] : memref<49x2048xf32, #tpu.memory_space<hbm>> -> memref<1x2048xf32, #tpu.memory_space<hbm>>
      %dma_wait3A_45 = arith.constant 0 : i32
      %dma_wait3A_46 = tpu.memref_slice %arg3[%scan3A_20, %dma_wait3A_45] : memref<49x2048xf32, #tpu.memory_space<hbm>> -> memref<1x2048xf32, #tpu.memory_space<hbm>>
      tpu.wait_dma2 semaphore(%arg20 : memref<!tpu.dma_semaphore, #tpu.memory_space<semaphore_mem>>) src(%dma_wait3A_46 : memref<1x2048xf32, #tpu.memory_space<hbm>>) dst(%arg9 : memref<1x2048xf32, #tpu.memory_space<vmem>>)
      %dma_wait3A_47 = arith.constant 0 : i32
      %dma_wait3A_48 = tpu.memref_slice %arg4[%scan3A_20, %dma_wait3A_47] : memref<49x2048xf32, #tpu.memory_space<hbm>> -> memref<1x2048xf32, #tpu.memory_space<hbm>>
      %dma_wait3A_49 = arith.constant 0 : i32
      %dma_wait3A_50 = tpu.memref_slice %arg4[%scan3A_20, %dma_wait3A_49] : memref<49x2048xf32, #tpu.memory_space<hbm>> -> memref<1x2048xf32, #tpu.memory_space<hbm>>
      tpu.wait_dma2 semaphore(%arg20 : memref<!tpu.dma_semaphore, #tpu.memory_space<semaphore_mem>>) src(%dma_wait3A_50 : memref<1x2048xf32, #tpu.memory_space<hbm>>) dst(%arg10 : memref<1x2048xf32, #tpu.memory_space<vmem>>)
      %dma_wait3A_51 = arith.constant 0 : i32
      %dma_wait3A_52 = tpu.memref_slice %arg5[%scan3A_20, %dma_wait3A_51] : memref<49x2048xf32, #tpu.memory_space<hbm>> -> memref<1x2048xf32, #tpu.memory_space<hbm>>
      %dma_wait3A_53 = arith.constant 0 : i32
      %dma_wait3A_54 = tpu.memref_slice %arg5[%scan3A_20, %dma_wait3A_53] : memref<49x2048xf32, #tpu.memory_space<hbm>> -> memref<1x2048xf32, #tpu.memory_space<hbm>>
      tpu.wait_dma2 semaphore(%arg20 : memref<!tpu.dma_semaphore, #tpu.memory_space<semaphore_mem>>) src(%dma_wait3A_54 : memref<1x2048xf32, #tpu.memory_space<hbm>>) dst(%arg11 : memref<1x2048xf32, #tpu.memory_space<vmem>>)
      %dma_wait3A_55 = arith.constant 0 : i32
      %dma_wait3A_56 = tpu.memref_slice %arg6[%scan3A_20, %dma_wait3A_55] : memref<49x2048xf32, #tpu.memory_space<hbm>> -> memref<1x2048xf32, #tpu.memory_space<hbm>>
      %dma_wait3A_57 = arith.constant 0 : i32
      %dma_wait3A_58 = tpu.memref_slice %arg6[%scan3A_20, %dma_wait3A_57] : memref<49x2048xf32, #tpu.memory_space<hbm>> -> memref<1x2048xf32, #tpu.memory_space<hbm>>
      tpu.wait_dma2 semaphore(%arg20 : memref<!tpu.dma_semaphore, #tpu.memory_space<semaphore_mem>>) src(%dma_wait3A_58 : memref<1x2048xf32, #tpu.memory_space<hbm>>) dst(%arg12 : memref<1x2048xf32, #tpu.memory_space<vmem>>)
      %scan3A_59 = arith.constant 0 : i32
      %scan3A_60 = arith.constant 128 : i32
      %scan3A_61 = arith.addi %scan3A_59, %scan3A_60 : i32
      %scan3A_62 = arith.constant 1 : i32
      scf.for %scan3A_64 = %scan3A_59 to %scan3A_61 step %scan3A_62  : i32 {
        %mul3A_65 = arith.constant 16 : i32
        %mul3A_66 = arith.muli %scan3A_64, %mul3A_65 : i32
        %get3A = arith.constant 0 : i32
        %get3A_67 = arith.index_cast %get3A : i32 to index
        %get3A_68 = arith.index_cast %mul3A_66 : i32 to index
        %get3A_69 = tpu.vector_load %arg8[%get3A_67, %get3A_68] {strides = array<i32>} : memref<1x2048xi32, #tpu.memory_space<vmem>>, vector<16xi32>,
        %sub3A = vector.broadcast %mul3A_2 : i32 to vector<16xi32>
        %sub3A_70 = arith.subi %get3A_69, %sub3A : vector<16xi32>
        %ge3A = arith.constant 0 : i32
        %ge3A_71 = vector.broadcast %ge3A : i32 to vector<16xi32>
        %ge3A_72 = arith.cmpi sge, %sub3A_70, %ge3A_71 : vector<16xi32>
        %lt3A = arith.constant 8192 : i32
        %lt3A_73 = vector.broadcast %lt3A : i32 to vector<16xi32>
        %lt3A_74 = arith.cmpi slt, %sub3A_70, %lt3A_73 : vector<16xi32>
        %and3A = arith.andi %ge3A_72, %lt3A_74 : vector<16xi1>
        %jit3A = arith.constant 0 : i32
        %broadcast_in_dim3A = vector.broadcast %jit3A : i32 to vector<16xi32>
        %select_n3A = arith.select %and3A, %sub3A_70, %broadcast_in_dim3A : vector<16xi1>, vector<16xi32>
        %get3A_75 = arith.constant 0 : i32
        %get3A_76 = arith.index_cast %get3A_75 : i32 to index
        %get3A_77 = arith.index_cast %mul3A_66 : i32 to index
        %get3A_78 = tpu.vector_load %arg9[%get3A_76, %get3A_77] {strides = array<i32>} : memref<1x2048xf32, #tpu.memory_space<vmem>>, vector<16xf32>,
        tpu.vector_store_idx %arg13[%select_n3A], %get3A_78 masked %and3A {add = true} : memref<8192xf32, #tpu.memory_space<vmem>>[vector<16xi32>], vector<16xf32>, vector<16xi1>
        %get3A_79 = arith.constant 0 : i32
        %get3A_80 = arith.index_cast %get3A_79 : i32 to index
        %get3A_81 = arith.index_cast %mul3A_66 : i32 to index
        %get3A_82 = tpu.vector_load %arg10[%get3A_80, %get3A_81] {strides = array<i32>} : memref<1x2048xf32, #tpu.memory_space<vmem>>, vector<16xf32>,
        tpu.vector_store_idx %arg14[%select_n3A], %get3A_82 masked %and3A {add = true} : memref<8192xf32, #tpu.memory_space<vmem>>[vector<16xi32>], vector<16xf32>, vector<16xi1>
        %get3A_83 = arith.constant 0 : i32
        %get3A_84 = arith.index_cast %get3A_83 : i32 to index
        %get3A_85 = arith.index_cast %mul3A_66 : i32 to index
        %get3A_86 = tpu.vector_load %arg11[%get3A_84, %get3A_85] {strides = array<i32>} : memref<1x2048xf32, #tpu.memory_space<vmem>>, vector<16xf32>,
        tpu.vector_store_idx %arg15[%select_n3A], %get3A_86 masked %and3A {add = true} : memref<8192xf32, #tpu.memory_space<vmem>>[vector<16xi32>], vector<16xf32>, vector<16xi1>
        %get3A_87 = arith.constant 0 : i32
        %get3A_88 = arith.index_cast %get3A_87 : i32 to index
        %get3A_89 = arith.index_cast %mul3A_66 : i32 to index
        %get3A_90 = tpu.vector_load %arg12[%get3A_88, %get3A_89] {strides = array<i32>} : memref<1x2048xf32, #tpu.memory_space<vmem>>, vector<16xf32>,
        tpu.vector_store_idx %arg16[%select_n3A], %get3A_90 masked %and3A {add = true} : memref<8192xf32, #tpu.memory_space<vmem>>[vector<16xi32>], vector<16xf32>, vector<16xi1>
      }
      %scan3A_63 = arith.constant 128 : i32
    }
    %scan3A_13 = arith.constant 49 : i32
    %scan3A_14 = arith.constant 0 : i32
    %scan3A_15 = arith.constant 0 : i32
    %scan3A_16 = arith.constant 512 : i32
    %scan3A_17 = arith.addi %scan3A_15, %scan3A_16 : i32
    %scan3A_18 = arith.constant 1 : i32
    scf.for %scan3A_20 = %scan3A_15 to %scan3A_17 step %scan3A_18  : i32 {
      %mul3A_21 = arith.constant 16 : i32
      %mul3A_22 = arith.muli %scan3A_20, %mul3A_21 : i32
      %get3A = arith.index_cast %mul3A_22 : i32 to index
      %get3A_23 = tpu.vector_load %arg16[%get3A] {strides = array<i32>} : memref<8192xf32, #tpu.memory_space<vmem>>, vector<16xf32>,
      %jit3A = arith.constant 0.000000e+00 : f32
      %jit3A_24 = arith.constant 1.000000e+00 : f32
      %max3A = vector.broadcast %jit3A : f32 to vector<16xf32>
      %max3A_25 = arith.maximumf %max3A, %get3A_23 : vector<16xf32>
      %min3A = vector.broadcast %jit3A_24 : f32 to vector<16xf32>
      %min3A_26 = arith.minimumf %min3A, %max3A_25 : vector<16xf32>
      %add3A_27 = arith.constant 9.99999997E-7 : f32
      %add3A_28 = vector.broadcast %add3A_27 : f32 to vector<16xf32>
      %add3A_29 = arith.addf %get3A_23, %add3A_28 : vector<16xf32>
      %div3A = arith.divf %min3A_26, %add3A_29 : vector<16xf32>
      %get3A_30 = arith.index_cast %mul3A_22 : i32 to index
      %get3A_31 = tpu.vector_load %arg13[%get3A_30] {strides = array<i32>} : memref<8192xf32, #tpu.memory_space<vmem>>, vector<16xf32>,
      %mul3A_32 = arith.mulf %get3A_31, %div3A : vector<16xf32>
      %swap3A = arith.constant 0 : i32
      %swap3A_33 = arith.index_cast %swap3A : i32 to index
      %swap3A_34 = arith.index_cast %mul3A_22 : i32 to index
      %swap3A_35 = tpu.vector_load %arg17[%swap3A_33, %swap3A_34] {strides = array<i32>} : memref<1x8192xf32, #tpu.memory_space<vmem>>, vector<16xf32>,
      tpu.vector_store %arg17[%swap3A_33, %swap3A_34], %mul3A_32 {strides = array<i32>} : memref<1x8192xf32, #tpu.memory_space<vmem>>, vector<16xf32>,
      %get3A_36 = arith.index_cast %mul3A_22 : i32 to index
      %get3A_37 = tpu.vector_load %arg14[%get3A_36] {strides = array<i32>} : memref<8192xf32, #tpu.memory_space<vmem>>, vector<16xf32>,
      %mul3A_38 = arith.mulf %get3A_37, %div3A : vector<16xf32>
      %swap3A_39 = arith.constant 0 : i32
      %swap3A_40 = arith.index_cast %swap3A_39 : i32 to index
      %swap3A_41 = arith.index_cast %mul3A_22 : i32 to index
      %swap3A_42 = tpu.vector_load %arg18[%swap3A_40, %swap3A_41] {strides = array<i32>} : memref<1x8192xf32, #tpu.memory_space<vmem>>, vector<16xf32>,
      tpu.vector_store %arg18[%swap3A_40, %swap3A_41], %mul3A_38 {strides = array<i32>} : memref<1x8192xf32, #tpu.memory_space<vmem>>, vector<16xf32>,
      %get3A_43 = arith.index_cast %mul3A_22 : i32 to index
      %get3A_44 = tpu.vector_load %arg15[%get3A_43] {strides = array<i32>} : memref<8192xf32, #tpu.memory_space<vmem>>, vector<16xf32>,
      %mul3A_45 = arith.mulf %get3A_44, %div3A : vector<16xf32>
      %swap3A_46 = arith.constant 0 : i32
      %swap3A_47 = arith.index_cast %swap3A_46 : i32 to index
      %swap3A_48 = arith.index_cast %mul3A_22 : i32 to index
      %swap3A_49 = tpu.vector_load %arg19[%swap3A_47, %swap3A_48] {strides = array<i32>} : memref<1x8192xf32, #tpu.memory_space<vmem>>, vector<16xf32>,
      tpu.vector_store %arg19[%swap3A_47, %swap3A_48], %mul3A_45 {strides = array<i32>} : memref<1x8192xf32, #tpu.memory_space<vmem>>, vector<16xf32>,
    }
    %scan3A_19 = arith.constant 512 : i32
    "tpu.region"() ({
      %run_scoped3A = tpu.sem_alloc : memref<!tpu.dma_semaphore, #tpu.memory_space<semaphore_mem>>
      %dma_start3A = arith.constant 0 : i32
      %dma_start3A_20 = tpu.memref_slice %arg7[%dma_start3A, %mul3A_2] : memref<3x262144xf32, #tpu.memory_space<hbm>> -> memref<1x8192xf32, #tpu.memory_space<hbm>>
      %dma_start3A_21 = arith.constant 0 : i32
      %dma_start3A_22 = tpu.memref_slice %arg7[%dma_start3A_21, %mul3A_2] : memref<3x262144xf32, #tpu.memory_space<hbm>> -> memref<1x8192xf32, #tpu.memory_space<hbm>>
      tpu.enqueue_dma source(%arg17 : memref<1x8192xf32, #tpu.memory_space<vmem>>) target(%dma_start3A_22 : memref<1x8192xf32, #tpu.memory_space<hbm>>) target_semaphore(%run_scoped3A : memref<!tpu.dma_semaphore, #tpu.memory_space<semaphore_mem>>)
      %dma_wait3A = arith.constant 0 : i32
      %dma_wait3A_23 = tpu.memref_slice %arg7[%dma_wait3A, %mul3A_2] : memref<3x262144xf32, #tpu.memory_space<hbm>> -> memref<1x8192xf32, #tpu.memory_space<hbm>>
      %dma_wait3A_24 = arith.constant 0 : i32
      %dma_wait3A_25 = tpu.memref_slice %arg7[%dma_wait3A_24, %mul3A_2] : memref<3x262144xf32, #tpu.memory_space<hbm>> -> memref<1x8192xf32, #tpu.memory_space<hbm>>
      tpu.wait_dma2 semaphore(%run_scoped3A : memref<!tpu.dma_semaphore, #tpu.memory_space<semaphore_mem>>) src(%arg17 : memref<1x8192xf32, #tpu.memory_space<vmem>>) dst(%dma_wait3A_25 : memref<1x8192xf32, #tpu.memory_space<hbm>>)
      tpu.yield
    }) : () -> ()
    "tpu.region"() ({
      %run_scoped3A = tpu.sem_alloc : memref<!tpu.dma_semaphore, #tpu.memory_space<semaphore_mem>>
      %dma_start3A = arith.constant 1 : i32
      %dma_start3A_20 = tpu.memref_slice %arg7[%dma_start3A, %mul3A_2] : memref<3x262144xf32, #tpu.memory_space<hbm>> -> memref<1x8192xf32, #tpu.memory_space<hbm>>
      %dma_start3A_21 = arith.constant 1 : i32
      %dma_start3A_22 = tpu.memref_slice %arg7[%dma_start3A_21, %mul3A_2] : memref<3x262144xf32, #tpu.memory_space<hbm>> -> memref<1x8192xf32, #tpu.memory_space<hbm>>
      tpu.enqueue_dma source(%arg18 : memref<1x8192xf32, #tpu.memory_space<vmem>>) target(%dma_start3A_22 : memref<1x8192xf32, #tpu.memory_space<hbm>>) target_semaphore(%run_scoped3A : memref<!tpu.dma_semaphore, #tpu.memory_space<semaphore_mem>>)
      %dma_wait3A = arith.constant 1 : i32
      %dma_wait3A_23 = tpu.memref_slice %arg7[%dma_wait3A, %mul3A_2] : memref<3x262144xf32, #tpu.memory_space<hbm>> -> memref<1x8192xf32, #tpu.memory_space<hbm>>
      %dma_wait3A_24 = arith.constant 1 : i32
      %dma_wait3A_25 = tpu.memref_slice %arg7[%dma_wait3A_24, %mul3A_2] : memref<3x262144xf32, #tpu.memory_space<hbm>> -> memref<1x8192xf32, #tpu.memory_space<hbm>>
      tpu.wait_dma2 semaphore(%run_scoped3A : memref<!tpu.dma_semaphore, #tpu.memory_space<semaphore_mem>>) src(%arg18 : memref<1x8192xf32, #tpu.memory_space<vmem>>) dst(%dma_wait3A_25 : memref<1x8192xf32, #tpu.memory_space<hbm>>)
      tpu.yield
    }) : () -> ()
    "tpu.region"() ({
      %run_scoped3A = tpu.sem_alloc : memref<!tpu.dma_semaphore, #tpu.memory_space<semaphore_mem>>
      %dma_start3A = arith.constant 2 : i32
      %dma_start3A_20 = tpu.memref_slice %arg7[%dma_start3A, %mul3A_2] : memref<3x262144xf32, #tpu.memory_space<hbm>> -> memref<1x8192xf32, #tpu.memory_space<hbm>>
      %dma_start3A_21 = arith.constant 2 : i32
      %dma_start3A_22 = tpu.memref_slice %arg7[%dma_start3A_21, %mul3A_2] : memref<3x262144xf32, #tpu.memory_space<hbm>> -> memref<1x8192xf32, #tpu.memory_space<hbm>>
      tpu.enqueue_dma source(%arg19 : memref<1x8192xf32, #tpu.memory_space<vmem>>) target(%dma_start3A_22 : memref<1x8192xf32, #tpu.memory_space<hbm>>) target_semaphore(%run_scoped3A : memref<!tpu.dma_semaphore, #tpu.memory_space<semaphore_mem>>)
      %dma_wait3A = arith.constant 2 : i32
      %dma_wait3A_23 = tpu.memref_slice %arg7[%dma_wait3A, %mul3A_2] : memref<3x262144xf32, #tpu.memory_space<hbm>> -> memref<1x8192xf32, #tpu.memory_space<hbm>>
      %dma_wait3A_24 = arith.constant 2 : i32
      %dma_wait3A_25 = tpu.memref_slice %arg7[%dma_wait3A_24, %mul3A_2] : memref<3x262144xf32, #tpu.memory_space<hbm>> -> memref<1x8192xf32, #tpu.memory_space<hbm>>
      tpu.wait_dma2 semaphore(%run_scoped3A : memref<!tpu.dma_semaphore, #tpu.memory_space<semaphore_mem>>) src(%arg19 : memref<1x8192xf32, #tpu.memory_space<vmem>>) dst(%dma_wait3A_25 : memref<1x8192xf32, #tpu.memory_space<hbm>>)
      tpu.yield
    }) : () -> ()
    return
  }
}

module attributes {stable_mosaic.version = 14 : i64} {
  func.func @_p1_body(%arg0: i32, %arg1: memref<3x2048xf32, #tpu.memory_space<vmem>>, %arg2: memref<512x3xf32, #tpu.memory_space<vmem>>, %arg3: memref<16x2048xi32, #tpu.memory_space<vmem>>, %arg4: memref<1x1xf32, #tpu.memory_space<smem>>) attributes {dimension_semantics = [#tpu.dimension_semantics<arbitrary>], iteration_bounds = array<i64: 49>, scalar_prefetch = 0 : i64, scratch_operands = 0 : i64, tpu.core_type = #tpu.core_type<tc>, window_params = [{transform_indices = @transform_0, window_bounds = array<i64: 3, 2048>}, {pipeline_mode = #tpu.pipeline_mode<synchronous>, transform_indices = @transform_1, window_bounds = array<i64: 512, 3>}, {transform_indices = @transform_2, window_bounds = array<i64: 16, 2048>}, {transform_indices = @transform_3, window_bounds = array<i64: 1, 1>}]} {
    %get3A = arith.constant 0 : index
    %get3A_0 = arith.constant 0 : index
    %get3A_1 = vector.load %arg1[%get3A, %get3A_0] : memref<3x2048xf32, #tpu.memory_space<vmem>>, vector<3x2048xf32>
    %get3A_2 = arith.constant 0 : index
    %get3A_3 = arith.constant 0 : index
    %get3A_4 = vector.load %arg2[%get3A_2, %get3A_3] : memref<512x3xf32, #tpu.memory_space<vmem>>, vector<512x3xf32>
    %mul3A = arith.mulf %get3A_1, %get3A_1 : vector<3x2048xf32>
    %reduce_sum3A = arith.constant dense<0.000000e+00> : vector<2048xf32>
    %reduce_sum3A_5 = vector.multi_reduction <add>, %mul3A, %reduce_sum3A [0] : vector<3x2048xf32> to vector<2048xf32>
    %broadcast_in_dim3A = vector.shape_cast %reduce_sum3A_5 : vector<2048xf32> to vector<1x2048xf32>
    %mul3A_6 = arith.mulf %get3A_4, %get3A_4 : vector<512x3xf32>
    %reduce_sum3A_7 = arith.constant dense<0.000000e+00> : vector<512xf32>
    %reduce_sum3A_8 = vector.multi_reduction <add>, %mul3A_6, %reduce_sum3A_7 [1] : vector<512x3xf32> to vector<512xf32>
    %broadcast_in_dim3A_9 = vector.shape_cast %reduce_sum3A_8 : vector<512xf32> to vector<512x1xf32>
    %dot_general3A = arith.constant dense<0.000000e+00> : vector<512x2048xf32>
    %dot_general3A_10 = tpu.matmul %get3A_4, %get3A_1, %dot_general3A {dimension_numbers = #tpu.dot_dimension_numbers<[1], [0], [0], [1], [0, 0, 1, 1], [], []>, transpose_lhs_hint = false} : vector<512x3xf32>, vector<3x2048xf32>, vector<512x2048xf32> -> vector<512x2048xf32>
    %add3A = vector.broadcast %broadcast_in_dim3A : vector<1x2048xf32> to vector<512x2048xf32>
    %add3A_11 = vector.broadcast %broadcast_in_dim3A_9 : vector<512x1xf32> to vector<512x2048xf32>
    %add3A_12 = arith.addf %add3A, %add3A_11 : vector<512x2048xf32>
    %mul3A_13 = arith.constant 2.000000e+00 : f32
    %mul3A_14 = vector.broadcast %mul3A_13 : f32 to vector<512x2048xf32>
    %mul3A_15 = arith.mulf %mul3A_14, %dot_general3A_10 : vector<512x2048xf32>
    %sub3A = arith.subf %add3A_12, %mul3A_15 : vector<512x2048xf32>
    %max3A = arith.constant 0.000000e+00 : f32
    %max3A_16 = vector.broadcast %max3A : f32 to vector<512x2048xf32>
    %max3A_17 = arith.maximumf %sub3A, %max3A_16 : vector<512x2048xf32>
    %sqrt3A = math.sqrt %max3A_17 : vector<512x2048xf32>
    %max3A_18 = arith.constant 9.99999997E-7 : f32
    %max3A_19 = vector.broadcast %max3A_18 : f32 to vector<512x2048xf32>
    %max3A_20 = arith.maximumf %sqrt3A, %max3A_19 : vector<512x2048xf32>
    %broadcast_in_dim3A_21 = arith.constant 0.000000e+00 : f32
    %broadcast_in_dim3A_22 = vector.broadcast %broadcast_in_dim3A_21 : f32 to vector<1x2048xf32>
    %iota3A = tpu.iota {dimensions = array<i32: 0>} : vector<512x2048xi32>
    %broadcast_in_dim3A_23 = arith.constant false
    %broadcast_in_dim3A_24 = vector.broadcast %broadcast_in_dim3A_23 : i1 to vector<512x2048xi1>
    %reduce_min3A = arith.constant dense<0x7F800000> : vector<2048xf32>
    %reduce_min3A_25 = vector.multi_reduction <minimumf>, %max3A_20, %reduce_min3A [0] : vector<512x2048xf32> to vector<2048xf32>
    %broadcast_in_dim3A_26 = vector.shape_cast %reduce_min3A_25 : vector<2048xf32> to vector<1x2048xf32>
    %add3A_27 = arith.addf %broadcast_in_dim3A_22, %broadcast_in_dim3A_26 : vector<1x2048xf32>
    %eq3A = vector.broadcast %broadcast_in_dim3A_26 : vector<1x2048xf32> to vector<512x2048xf32>
    %eq3A_28 = arith.cmpf oeq, %max3A_20, %eq3A : vector<512x2048xf32>
    %jit3A = arith.constant 512 : i32
    %broadcast_in_dim3A_29 = vector.broadcast %jit3A : i32 to vector<512x2048xi32>
    %select_n3A = arith.select %eq3A_28, %iota3A, %broadcast_in_dim3A_29 : vector<512x2048xi1>, vector<512x2048xi32>
    %reduce_min3A_30 = arith.constant dense<2147483647> : vector<2048xi32>
    %reduce_min3A_31 = vector.multi_reduction <minsi>, %select_n3A, %reduce_min3A_30 [0] : vector<512x2048xi32> to vector<2048xi32>
    %broadcast_in_dim3A_32 = vector.shape_cast %reduce_min3A_31 : vector<2048xi32> to vector<1x2048xi32>
    %eq3A_33 = vector.broadcast %broadcast_in_dim3A_32 : vector<1x2048xi32> to vector<512x2048xi32>
    %eq3A_34 = arith.cmpi eq, %iota3A, %eq3A_33 : vector<512x2048xi32>
    %or3A = arith.ori %broadcast_in_dim3A_24, %eq3A_34 : vector<512x2048xi1>
    %jit3A_35 = arith.constant 0x7F800000 : f32
    %broadcast_in_dim3A_36 = vector.broadcast %jit3A_35 : f32 to vector<512x2048xf32>
    %select_n3A_37 = arith.select %eq3A_34, %broadcast_in_dim3A_36, %max3A_20 : vector<512x2048xi1>, vector<512x2048xf32>
    %reduce_min3A_38 = arith.constant dense<0x7F800000> : vector<2048xf32>
    %reduce_min3A_39 = vector.multi_reduction <minimumf>, %select_n3A_37, %reduce_min3A_38 [0] : vector<512x2048xf32> to vector<2048xf32>
    %broadcast_in_dim3A_40 = vector.shape_cast %reduce_min3A_39 : vector<2048xf32> to vector<1x2048xf32>
    %add3A_41 = arith.addf %add3A_27, %broadcast_in_dim3A_40 : vector<1x2048xf32>
    %eq3A_42 = vector.broadcast %broadcast_in_dim3A_40 : vector<1x2048xf32> to vector<512x2048xf32>
    %eq3A_43 = arith.cmpf oeq, %select_n3A_37, %eq3A_42 : vector<512x2048xf32>
    %jit3A_44 = arith.constant 512 : i32
    %broadcast_in_dim3A_45 = vector.broadcast %jit3A_44 : i32 to vector<512x2048xi32>
    %select_n3A_46 = arith.select %eq3A_43, %iota3A, %broadcast_in_dim3A_45 : vector<512x2048xi1>, vector<512x2048xi32>
    %reduce_min3A_47 = arith.constant dense<2147483647> : vector<2048xi32>
    %reduce_min3A_48 = vector.multi_reduction <minsi>, %select_n3A_46, %reduce_min3A_47 [0] : vector<512x2048xi32> to vector<2048xi32>
    %broadcast_in_dim3A_49 = vector.shape_cast %reduce_min3A_48 : vector<2048xi32> to vector<1x2048xi32>
    %eq3A_50 = vector.broadcast %broadcast_in_dim3A_49 : vector<1x2048xi32> to vector<512x2048xi32>
    %eq3A_51 = arith.cmpi eq, %iota3A, %eq3A_50 : vector<512x2048xi32>
    %or3A_52 = arith.ori %or3A, %eq3A_51 : vector<512x2048xi1>
    %jit3A_53 = arith.constant 0x7F800000 : f32
    %broadcast_in_dim3A_54 = vector.broadcast %jit3A_53 : f32 to vector<512x2048xf32>
    %select_n3A_55 = arith.select %eq3A_51, %broadcast_in_dim3A_54, %select_n3A_37 : vector<512x2048xi1>, vector<512x2048xf32>
    %reduce_min3A_56 = arith.constant dense<0x7F800000> : vector<2048xf32>
    %reduce_min3A_57 = vector.multi_reduction <minimumf>, %select_n3A_55, %reduce_min3A_56 [0] : vector<512x2048xf32> to vector<2048xf32>
    %broadcast_in_dim3A_58 = vector.shape_cast %reduce_min3A_57 : vector<2048xf32> to vector<1x2048xf32>
    %add3A_59 = arith.addf %add3A_41, %broadcast_in_dim3A_58 : vector<1x2048xf32>
    %eq3A_60 = vector.broadcast %broadcast_in_dim3A_58 : vector<1x2048xf32> to vector<512x2048xf32>
    %eq3A_61 = arith.cmpf oeq, %select_n3A_55, %eq3A_60 : vector<512x2048xf32>
    %jit3A_62 = arith.constant 512 : i32
    %broadcast_in_dim3A_63 = vector.broadcast %jit3A_62 : i32 to vector<512x2048xi32>
    %select_n3A_64 = arith.select %eq3A_61, %iota3A, %broadcast_in_dim3A_63 : vector<512x2048xi1>, vector<512x2048xi32>
    %reduce_min3A_65 = arith.constant dense<2147483647> : vector<2048xi32>
    %reduce_min3A_66 = vector.multi_reduction <minsi>, %select_n3A_64, %reduce_min3A_65 [0] : vector<512x2048xi32> to vector<2048xi32>
    %broadcast_in_dim3A_67 = vector.shape_cast %reduce_min3A_66 : vector<2048xi32> to vector<1x2048xi32>
    %eq3A_68 = vector.broadcast %broadcast_in_dim3A_67 : vector<1x2048xi32> to vector<512x2048xi32>
    %eq3A_69 = arith.cmpi eq, %iota3A, %eq3A_68 : vector<512x2048xi32>
    %or3A_70 = arith.ori %or3A_52, %eq3A_69 : vector<512x2048xi1>
    %jit3A_71 = arith.constant 0x7F800000 : f32
    %broadcast_in_dim3A_72 = vector.broadcast %jit3A_71 : f32 to vector<512x2048xf32>
    %select_n3A_73 = arith.select %eq3A_69, %broadcast_in_dim3A_72, %select_n3A_55 : vector<512x2048xi1>, vector<512x2048xf32>
    %reduce_min3A_74 = arith.constant dense<0x7F800000> : vector<2048xf32>
    %reduce_min3A_75 = vector.multi_reduction <minimumf>, %select_n3A_73, %reduce_min3A_74 [0] : vector<512x2048xf32> to vector<2048xf32>
    %broadcast_in_dim3A_76 = vector.shape_cast %reduce_min3A_75 : vector<2048xf32> to vector<1x2048xf32>
    %add3A_77 = arith.addf %add3A_59, %broadcast_in_dim3A_76 : vector<1x2048xf32>
    %eq3A_78 = vector.broadcast %broadcast_in_dim3A_76 : vector<1x2048xf32> to vector<512x2048xf32>
    %eq3A_79 = arith.cmpf oeq, %select_n3A_73, %eq3A_78 : vector<512x2048xf32>
    %jit3A_80 = arith.constant 512 : i32
    %broadcast_in_dim3A_81 = vector.broadcast %jit3A_80 : i32 to vector<512x2048xi32>
    %select_n3A_82 = arith.select %eq3A_79, %iota3A, %broadcast_in_dim3A_81 : vector<512x2048xi1>, vector<512x2048xi32>
    %reduce_min3A_83 = arith.constant dense<2147483647> : vector<2048xi32>
    %reduce_min3A_84 = vector.multi_reduction <minsi>, %select_n3A_82, %reduce_min3A_83 [0] : vector<512x2048xi32> to vector<2048xi32>
    %broadcast_in_dim3A_85 = vector.shape_cast %reduce_min3A_84 : vector<2048xi32> to vector<1x2048xi32>
    %eq3A_86 = vector.broadcast %broadcast_in_dim3A_85 : vector<1x2048xi32> to vector<512x2048xi32>
    %eq3A_87 = arith.cmpi eq, %iota3A, %eq3A_86 : vector<512x2048xi32>
    %or3A_88 = arith.ori %or3A_70, %eq3A_87 : vector<512x2048xi1>
    %jit3A_89 = arith.constant 0x7F800000 : f32
    %broadcast_in_dim3A_90 = vector.broadcast %jit3A_89 : f32 to vector<512x2048xf32>
    %select_n3A_91 = arith.select %eq3A_87, %broadcast_in_dim3A_90, %select_n3A_73 : vector<512x2048xi1>, vector<512x2048xf32>
    %reduce_min3A_92 = arith.constant dense<0x7F800000> : vector<2048xf32>
    %reduce_min3A_93 = vector.multi_reduction <minimumf>, %select_n3A_91, %reduce_min3A_92 [0] : vector<512x2048xf32> to vector<2048xf32>
    %broadcast_in_dim3A_94 = vector.shape_cast %reduce_min3A_93 : vector<2048xf32> to vector<1x2048xf32>
    %add3A_95 = arith.addf %add3A_77, %broadcast_in_dim3A_94 : vector<1x2048xf32>
    %eq3A_96 = vector.broadcast %broadcast_in_dim3A_94 : vector<1x2048xf32> to vector<512x2048xf32>
    %eq3A_97 = arith.cmpf oeq, %select_n3A_91, %eq3A_96 : vector<512x2048xf32>
    %jit3A_98 = arith.constant 512 : i32
    %broadcast_in_dim3A_99 = vector.broadcast %jit3A_98 : i32 to vector<512x2048xi32>
    %select_n3A_100 = arith.select %eq3A_97, %iota3A, %broadcast_in_dim3A_99 : vector<512x2048xi1>, vector<512x2048xi32>
    %reduce_min3A_101 = arith.constant dense<2147483647> : vector<2048xi32>
    %reduce_min3A_102 = vector.multi_reduction <minsi>, %select_n3A_100, %reduce_min3A_101 [0] : vector<512x2048xi32> to vector<2048xi32>
    %broadcast_in_dim3A_103 = vector.shape_cast %reduce_min3A_102 : vector<2048xi32> to vector<1x2048xi32>
    %eq3A_104 = vector.broadcast %broadcast_in_dim3A_103 : vector<1x2048xi32> to vector<512x2048xi32>
    %eq3A_105 = arith.cmpi eq, %iota3A, %eq3A_104 : vector<512x2048xi32>
    %or3A_106 = arith.ori %or3A_88, %eq3A_105 : vector<512x2048xi1>
    %jit3A_107 = arith.constant 0x7F800000 : f32
    %broadcast_in_dim3A_108 = vector.broadcast %jit3A_107 : f32 to vector<512x2048xf32>
    %select_n3A_109 = arith.select %eq3A_105, %broadcast_in_dim3A_108, %select_n3A_91 : vector<512x2048xi1>, vector<512x2048xf32>
    %reduce_min3A_110 = arith.constant dense<0x7F800000> : vector<2048xf32>
    %reduce_min3A_111 = vector.multi_reduction <minimumf>, %select_n3A_109, %reduce_min3A_110 [0] : vector<512x2048xf32> to vector<2048xf32>
    %broadcast_in_dim3A_112 = vector.shape_cast %reduce_min3A_111 : vector<2048xf32> to vector<1x2048xf32>
    %add3A_113 = arith.addf %add3A_95, %broadcast_in_dim3A_112 : vector<1x2048xf32>
    %eq3A_114 = vector.broadcast %broadcast_in_dim3A_112 : vector<1x2048xf32> to vector<512x2048xf32>
    %eq3A_115 = arith.cmpf oeq, %select_n3A_109, %eq3A_114 : vector<512x2048xf32>
    %jit3A_116 = arith.constant 512 : i32
    %broadcast_in_dim3A_117 = vector.broadcast %jit3A_116 : i32 to vector<512x2048xi32>
    %select_n3A_118 = arith.select %eq3A_115, %iota3A, %broadcast_in_dim3A_117 : vector<512x2048xi1>, vector<512x2048xi32>
    %reduce_min3A_119 = arith.constant dense<2147483647> : vector<2048xi32>
    %reduce_min3A_120 = vector.multi_reduction <minsi>, %select_n3A_118, %reduce_min3A_119 [0] : vector<512x2048xi32> to vector<2048xi32>
    %broadcast_in_dim3A_121 = vector.shape_cast %reduce_min3A_120 : vector<2048xi32> to vector<1x2048xi32>
    %eq3A_122 = vector.broadcast %broadcast_in_dim3A_121 : vector<1x2048xi32> to vector<512x2048xi32>
    %eq3A_123 = arith.cmpi eq, %iota3A, %eq3A_122 : vector<512x2048xi32>
    %or3A_124 = arith.ori %or3A_106, %eq3A_123 : vector<512x2048xi1>
    %jit3A_125 = arith.constant 0x7F800000 : f32
    %broadcast_in_dim3A_126 = vector.broadcast %jit3A_125 : f32 to vector<512x2048xf32>
    %select_n3A_127 = arith.select %eq3A_123, %broadcast_in_dim3A_126, %select_n3A_109 : vector<512x2048xi1>, vector<512x2048xf32>
    %reduce_min3A_128 = arith.constant dense<0x7F800000> : vector<2048xf32>
    %reduce_min3A_129 = vector.multi_reduction <minimumf>, %select_n3A_127, %reduce_min3A_128 [0] : vector<512x2048xf32> to vector<2048xf32>
    %broadcast_in_dim3A_130 = vector.shape_cast %reduce_min3A_129 : vector<2048xf32> to vector<1x2048xf32>
    %add3A_131 = arith.addf %add3A_113, %broadcast_in_dim3A_130 : vector<1x2048xf32>
    %eq3A_132 = vector.broadcast %broadcast_in_dim3A_130 : vector<1x2048xf32> to vector<512x2048xf32>
    %eq3A_133 = arith.cmpf oeq, %select_n3A_127, %eq3A_132 : vector<512x2048xf32>
    %jit3A_134 = arith.constant 512 : i32
    %broadcast_in_dim3A_135 = vector.broadcast %jit3A_134 : i32 to vector<512x2048xi32>
    %select_n3A_136 = arith.select %eq3A_133, %iota3A, %broadcast_in_dim3A_135 : vector<512x2048xi1>, vector<512x2048xi32>
    %reduce_min3A_137 = arith.constant dense<2147483647> : vector<2048xi32>
    %reduce_min3A_138 = vector.multi_reduction <minsi>, %select_n3A_136, %reduce_min3A_137 [0] : vector<512x2048xi32> to vector<2048xi32>
    %broadcast_in_dim3A_139 = vector.shape_cast %reduce_min3A_138 : vector<2048xi32> to vector<1x2048xi32>
    %eq3A_140 = vector.broadcast %broadcast_in_dim3A_139 : vector<1x2048xi32> to vector<512x2048xi32>
    %eq3A_141 = arith.cmpi eq, %iota3A, %eq3A_140 : vector<512x2048xi32>
    %or3A_142 = arith.ori %or3A_124, %eq3A_141 : vector<512x2048xi1>
    %jit3A_143 = arith.constant 0x7F800000 : f32
    %broadcast_in_dim3A_144 = vector.broadcast %jit3A_143 : f32 to vector<512x2048xf32>
    %select_n3A_145 = arith.select %eq3A_141, %broadcast_in_dim3A_144, %select_n3A_127 : vector<512x2048xi1>, vector<512x2048xf32>
    %reduce_min3A_146 = arith.constant dense<0x7F800000> : vector<2048xf32>
    %reduce_min3A_147 = vector.multi_reduction <minimumf>, %select_n3A_145, %reduce_min3A_146 [0] : vector<512x2048xf32> to vector<2048xf32>
    %broadcast_in_dim3A_148 = vector.shape_cast %reduce_min3A_147 : vector<2048xf32> to vector<1x2048xf32>
    %add3A_149 = arith.addf %add3A_131, %broadcast_in_dim3A_148 : vector<1x2048xf32>
    %eq3A_150 = vector.broadcast %broadcast_in_dim3A_148 : vector<1x2048xf32> to vector<512x2048xf32>
    %eq3A_151 = arith.cmpf oeq, %select_n3A_145, %eq3A_150 : vector<512x2048xf32>
    %jit3A_152 = arith.constant 512 : i32
    %broadcast_in_dim3A_153 = vector.broadcast %jit3A_152 : i32 to vector<512x2048xi32>
    %select_n3A_154 = arith.select %eq3A_151, %iota3A, %broadcast_in_dim3A_153 : vector<512x2048xi1>, vector<512x2048xi32>
    %reduce_min3A_155 = arith.constant dense<2147483647> : vector<2048xi32>
    %reduce_min3A_156 = vector.multi_reduction <minsi>, %select_n3A_154, %reduce_min3A_155 [0] : vector<512x2048xi32> to vector<2048xi32>
    %broadcast_in_dim3A_157 = vector.shape_cast %reduce_min3A_156 : vector<2048xi32> to vector<1x2048xi32>
    %eq3A_158 = vector.broadcast %broadcast_in_dim3A_157 : vector<1x2048xi32> to vector<512x2048xi32>
    %eq3A_159 = arith.cmpi eq, %iota3A, %eq3A_158 : vector<512x2048xi32>
    %or3A_160 = arith.ori %or3A_142, %eq3A_159 : vector<512x2048xi1>
    %convert_element_type3A = arith.extui %or3A_160 : vector<512x2048xi1> to vector<512x2048xi32>
    %iota3A_161 = tpu.iota {dimensions = array<i32: 0>} : vector<32x1xi32>
    %slice3A = vector.extract_strided_slice %convert_element_type3A {offsets = [0, 0], sizes = [32, 2048], strides = [1, 1]} : vector<512x2048xi32> to vector<32x2048xi32>
    %shift_left3A = vector.broadcast %iota3A_161 : vector<32x1xi32> to vector<32x2048xi32>
    %shift_left3A_162 = arith.shli %slice3A, %shift_left3A : vector<32x2048xi32>
    %reduce_sum3A_163 = arith.constant dense<0> : vector<2048xi32>
    %reduce_sum3A_164 = vector.multi_reduction <add>, %shift_left3A_162, %reduce_sum3A_163 [0] : vector<32x2048xi32> to vector<2048xi32>
    %broadcast_in_dim3A_165 = vector.shape_cast %reduce_sum3A_164 : vector<2048xi32> to vector<1x2048xi32>
    %slice3A_166 = vector.extract_strided_slice %convert_element_type3A {offsets = [32, 0], sizes = [32, 2048], strides = [1, 1]} : vector<512x2048xi32> to vector<32x2048xi32>
    %shift_left3A_167 = vector.broadcast %iota3A_161 : vector<32x1xi32> to vector<32x2048xi32>
    %shift_left3A_168 = arith.shli %slice3A_166, %shift_left3A_167 : vector<32x2048xi32>
    %reduce_sum3A_169 = arith.constant dense<0> : vector<2048xi32>
    %reduce_sum3A_170 = vector.multi_reduction <add>, %shift_left3A_168, %reduce_sum3A_169 [0] : vector<32x2048xi32> to vector<2048xi32>
    %broadcast_in_dim3A_171 = vector.shape_cast %reduce_sum3A_170 : vector<2048xi32> to vector<1x2048xi32>
    %slice3A_172 = vector.extract_strided_slice %convert_element_type3A {offsets = [64, 0], sizes = [32, 2048], strides = [1, 1]} : vector<512x2048xi32> to vector<32x2048xi32>
    %shift_left3A_173 = vector.broadcast %iota3A_161 : vector<32x1xi32> to vector<32x2048xi32>
    %shift_left3A_174 = arith.shli %slice3A_172, %shift_left3A_173 : vector<32x2048xi32>
    %reduce_sum3A_175 = arith.constant dense<0> : vector<2048xi32>
    %reduce_sum3A_176 = vector.multi_reduction <add>, %shift_left3A_174, %reduce_sum3A_175 [0] : vector<32x2048xi32> to vector<2048xi32>
    %broadcast_in_dim3A_177 = vector.shape_cast %reduce_sum3A_176 : vector<2048xi32> to vector<1x2048xi32>
    %slice3A_178 = vector.extract_strided_slice %convert_element_type3A {offsets = [96, 0], sizes = [32, 2048], strides = [1, 1]} : vector<512x2048xi32> to vector<32x2048xi32>
    %shift_left3A_179 = vector.broadcast %iota3A_161 : vector<32x1xi32> to vector<32x2048xi32>
    %shift_left3A_180 = arith.shli %slice3A_178, %shift_left3A_179 : vector<32x2048xi32>
    %reduce_sum3A_181 = arith.constant dense<0> : vector<2048xi32>
    %reduce_sum3A_182 = vector.multi_reduction <add>, %shift_left3A_180, %reduce_sum3A_181 [0] : vector<32x2048xi32> to vector<2048xi32>
    %broadcast_in_dim3A_183 = vector.shape_cast %reduce_sum3A_182 : vector<2048xi32> to vector<1x2048xi32>
    %slice3A_184 = vector.extract_strided_slice %convert_element_type3A {offsets = [128, 0], sizes = [32, 2048], strides = [1, 1]} : vector<512x2048xi32> to vector<32x2048xi32>
    %shift_left3A_185 = vector.broadcast %iota3A_161 : vector<32x1xi32> to vector<32x2048xi32>
    %shift_left3A_186 = arith.shli %slice3A_184, %shift_left3A_185 : vector<32x2048xi32>
    %reduce_sum3A_187 = arith.constant dense<0> : vector<2048xi32>
    %reduce_sum3A_188 = vector.multi_reduction <add>, %shift_left3A_186, %reduce_sum3A_187 [0] : vector<32x2048xi32> to vector<2048xi32>
    %broadcast_in_dim3A_189 = vector.shape_cast %reduce_sum3A_188 : vector<2048xi32> to vector<1x2048xi32>
    %slice3A_190 = vector.extract_strided_slice %convert_element_type3A {offsets = [160, 0], sizes = [32, 2048], strides = [1, 1]} : vector<512x2048xi32> to vector<32x2048xi32>
    %shift_left3A_191 = vector.broadcast %iota3A_161 : vector<32x1xi32> to vector<32x2048xi32>
    %shift_left3A_192 = arith.shli %slice3A_190, %shift_left3A_191 : vector<32x2048xi32>
    %reduce_sum3A_193 = arith.constant dense<0> : vector<2048xi32>
    %reduce_sum3A_194 = vector.multi_reduction <add>, %shift_left3A_192, %reduce_sum3A_193 [0] : vector<32x2048xi32> to vector<2048xi32>
    %broadcast_in_dim3A_195 = vector.shape_cast %reduce_sum3A_194 : vector<2048xi32> to vector<1x2048xi32>
    %slice3A_196 = vector.extract_strided_slice %convert_element_type3A {offsets = [192, 0], sizes = [32, 2048], strides = [1, 1]} : vector<512x2048xi32> to vector<32x2048xi32>
    %shift_left3A_197 = vector.broadcast %iota3A_161 : vector<32x1xi32> to vector<32x2048xi32>
    %shift_left3A_198 = arith.shli %slice3A_196, %shift_left3A_197 : vector<32x2048xi32>
    %reduce_sum3A_199 = arith.constant dense<0> : vector<2048xi32>
    %reduce_sum3A_200 = vector.multi_reduction <add>, %shift_left3A_198, %reduce_sum3A_199 [0] : vector<32x2048xi32> to vector<2048xi32>
    %broadcast_in_dim3A_201 = vector.shape_cast %reduce_sum3A_200 : vector<2048xi32> to vector<1x2048xi32>
    %slice3A_202 = vector.extract_strided_slice %convert_element_type3A {offsets = [224, 0], sizes = [32, 2048], strides = [1, 1]} : vector<512x2048xi32> to vector<32x2048xi32>
    %shift_left3A_203 = vector.broadcast %iota3A_161 : vector<32x1xi32> to vector<32x2048xi32>
    %shift_left3A_204 = arith.shli %slice3A_202, %shift_left3A_203 : vector<32x2048xi32>
    %reduce_sum3A_205 = arith.constant dense<0> : vector<2048xi32>
    %reduce_sum3A_206 = vector.multi_reduction <add>, %shift_left3A_204, %reduce_sum3A_205 [0] : vector<32x2048xi32> to vector<2048xi32>
    %broadcast_in_dim3A_207 = vector.shape_cast %reduce_sum3A_206 : vector<2048xi32> to vector<1x2048xi32>
    %slice3A_208 = vector.extract_strided_slice %convert_element_type3A {offsets = [256, 0], sizes = [32, 2048], strides = [1, 1]} : vector<512x2048xi32> to vector<32x2048xi32>
    %shift_left3A_209 = vector.broadcast %iota3A_161 : vector<32x1xi32> to vector<32x2048xi32>
    %shift_left3A_210 = arith.shli %slice3A_208, %shift_left3A_209 : vector<32x2048xi32>
    %reduce_sum3A_211 = arith.constant dense<0> : vector<2048xi32>
    %reduce_sum3A_212 = vector.multi_reduction <add>, %shift_left3A_210, %reduce_sum3A_211 [0] : vector<32x2048xi32> to vector<2048xi32>
    %broadcast_in_dim3A_213 = vector.shape_cast %reduce_sum3A_212 : vector<2048xi32> to vector<1x2048xi32>
    %slice3A_214 = vector.extract_strided_slice %convert_element_type3A {offsets = [288, 0], sizes = [32, 2048], strides = [1, 1]} : vector<512x2048xi32> to vector<32x2048xi32>
    %shift_left3A_215 = vector.broadcast %iota3A_161 : vector<32x1xi32> to vector<32x2048xi32>
    %shift_left3A_216 = arith.shli %slice3A_214, %shift_left3A_215 : vector<32x2048xi32>
    %reduce_sum3A_217 = arith.constant dense<0> : vector<2048xi32>
    %reduce_sum3A_218 = vector.multi_reduction <add>, %shift_left3A_216, %reduce_sum3A_217 [0] : vector<32x2048xi32> to vector<2048xi32>
    %broadcast_in_dim3A_219 = vector.shape_cast %reduce_sum3A_218 : vector<2048xi32> to vector<1x2048xi32>
    %slice3A_220 = vector.extract_strided_slice %convert_element_type3A {offsets = [320, 0], sizes = [32, 2048], strides = [1, 1]} : vector<512x2048xi32> to vector<32x2048xi32>
    %shift_left3A_221 = vector.broadcast %iota3A_161 : vector<32x1xi32> to vector<32x2048xi32>
    %shift_left3A_222 = arith.shli %slice3A_220, %shift_left3A_221 : vector<32x2048xi32>
    %reduce_sum3A_223 = arith.constant dense<0> : vector<2048xi32>
    %reduce_sum3A_224 = vector.multi_reduction <add>, %shift_left3A_222, %reduce_sum3A_223 [0] : vector<32x2048xi32> to vector<2048xi32>
    %broadcast_in_dim3A_225 = vector.shape_cast %reduce_sum3A_224 : vector<2048xi32> to vector<1x2048xi32>
    %slice3A_226 = vector.extract_strided_slice %convert_element_type3A {offsets = [352, 0], sizes = [32, 2048], strides = [1, 1]} : vector<512x2048xi32> to vector<32x2048xi32>
    %shift_left3A_227 = vector.broadcast %iota3A_161 : vector<32x1xi32> to vector<32x2048xi32>
    %shift_left3A_228 = arith.shli %slice3A_226, %shift_left3A_227 : vector<32x2048xi32>
    %reduce_sum3A_229 = arith.constant dense<0> : vector<2048xi32>
    %reduce_sum3A_230 = vector.multi_reduction <add>, %shift_left3A_228, %reduce_sum3A_229 [0] : vector<32x2048xi32> to vector<2048xi32>
    %broadcast_in_dim3A_231 = vector.shape_cast %reduce_sum3A_230 : vector<2048xi32> to vector<1x2048xi32>
    %slice3A_232 = vector.extract_strided_slice %convert_element_type3A {offsets = [384, 0], sizes = [32, 2048], strides = [1, 1]} : vector<512x2048xi32> to vector<32x2048xi32>
    %shift_left3A_233 = vector.broadcast %iota3A_161 : vector<32x1xi32> to vector<32x2048xi32>
    %shift_left3A_234 = arith.shli %slice3A_232, %shift_left3A_233 : vector<32x2048xi32>
    %reduce_sum3A_235 = arith.constant dense<0> : vector<2048xi32>
    %reduce_sum3A_236 = vector.multi_reduction <add>, %shift_left3A_234, %reduce_sum3A_235 [0] : vector<32x2048xi32> to vector<2048xi32>
    %broadcast_in_dim3A_237 = vector.shape_cast %reduce_sum3A_236 : vector<2048xi32> to vector<1x2048xi32>
    %slice3A_238 = vector.extract_strided_slice %convert_element_type3A {offsets = [416, 0], sizes = [32, 2048], strides = [1, 1]} : vector<512x2048xi32> to vector<32x2048xi32>
    %shift_left3A_239 = vector.broadcast %iota3A_161 : vector<32x1xi32> to vector<32x2048xi32>
    %shift_left3A_240 = arith.shli %slice3A_238, %shift_left3A_239 : vector<32x2048xi32>
    %reduce_sum3A_241 = arith.constant dense<0> : vector<2048xi32>
    %reduce_sum3A_242 = vector.multi_reduction <add>, %shift_left3A_240, %reduce_sum3A_241 [0] : vector<32x2048xi32> to vector<2048xi32>
    %broadcast_in_dim3A_243 = vector.shape_cast %reduce_sum3A_242 : vector<2048xi32> to vector<1x2048xi32>
    %slice3A_244 = vector.extract_strided_slice %convert_element_type3A {offsets = [448, 0], sizes = [32, 2048], strides = [1, 1]} : vector<512x2048xi32> to vector<32x2048xi32>
    %shift_left3A_245 = vector.broadcast %iota3A_161 : vector<32x1xi32> to vector<32x2048xi32>
    %shift_left3A_246 = arith.shli %slice3A_244, %shift_left3A_245 : vector<32x2048xi32>
    %reduce_sum3A_247 = arith.constant dense<0> : vector<2048xi32>
    %reduce_sum3A_248 = vector.multi_reduction <add>, %shift_left3A_246, %reduce_sum3A_247 [0] : vector<32x2048xi32> to vector<2048xi32>
    %broadcast_in_dim3A_249 = vector.shape_cast %reduce_sum3A_248 : vector<2048xi32> to vector<1x2048xi32>
    %slice3A_250 = vector.extract_strided_slice %convert_element_type3A {offsets = [480, 0], sizes = [32, 2048], strides = [1, 1]} : vector<512x2048xi32> to vector<32x2048xi32>
    %shift_left3A_251 = vector.broadcast %iota3A_161 : vector<32x1xi32> to vector<32x2048xi32>
    %shift_left3A_252 = arith.shli %slice3A_250, %shift_left3A_251 : vector<32x2048xi32>
    %reduce_sum3A_253 = arith.constant dense<0> : vector<2048xi32>
    %reduce_sum3A_254 = vector.multi_reduction <add>, %shift_left3A_252, %reduce_sum3A_253 [0] : vector<32x2048xi32> to vector<2048xi32>
    %broadcast_in_dim3A_255 = vector.shape_cast %reduce_sum3A_254 : vector<2048xi32> to vector<1x2048xi32>
    %concatenate3A = tpu.concatenate %broadcast_in_dim3A_165, %broadcast_in_dim3A_171, %broadcast_in_dim3A_177, %broadcast_in_dim3A_183, %broadcast_in_dim3A_189, %broadcast_in_dim3A_195, %broadcast_in_dim3A_201, %broadcast_in_dim3A_207, %broadcast_in_dim3A_213, %broadcast_in_dim3A_219, %broadcast_in_dim3A_225, %broadcast_in_dim3A_231, %broadcast_in_dim3A_237, %broadcast_in_dim3A_243, %broadcast_in_dim3A_249, %broadcast_in_dim3A_255 in 0 : vector<1x2048xi32>, vector<1x2048xi32>, vector<1x2048xi32>, vector<1x2048xi32>, vector<1x2048xi32>, vector<1x2048xi32>, vector<1x2048xi32>, vector<1x2048xi32>, vector<1x2048xi32>, vector<1x2048xi32>, vector<1x2048xi32>, vector<1x2048xi32>, vector<1x2048xi32>, vector<1x2048xi32>, vector<1x2048xi32>, vector<1x2048xi32> -> vector<16x2048xi32>
    %swap3A = arith.constant 0 : index
    %swap3A_256 = arith.constant 0 : index
    %swap3A_257 = vector.load %arg3[%swap3A, %swap3A_256] : memref<16x2048xi32, #tpu.memory_space<vmem>>, vector<16x2048xi32>
    tpu.vector_store %arg3[%swap3A, %swap3A_256], %concatenate3A {strides = array<i32>} : memref<16x2048xi32, #tpu.memory_space<vmem>>, vector<16x2048xi32>,
    %mul3A_258 = arith.constant 2048 : i32
    %mul3A_259 = arith.muli %arg0, %mul3A_258 : i32
    %iota3A_260 = tpu.iota {dimensions = array<i32: 1>} : vector<1x2048xi32>
    %add3A_261 = vector.broadcast %mul3A_259 : i32 to vector<1x2048xi32>
    %add3A_262 = arith.addi %add3A_261, %iota3A_260 : vector<1x2048xi32>
    %lt3A = arith.constant 100000 : i32
    %lt3A_263 = vector.broadcast %lt3A : i32 to vector<1x2048xi32>
    %lt3A_264 = arith.cmpi slt, %add3A_262, %lt3A_263 : vector<1x2048xi32>
    %jit3A_265 = arith.constant 0.000000e+00 : f32
    %broadcast_in_dim3A_266 = vector.broadcast %jit3A_265 : f32 to vector<1x2048xf32>
    %select_n3A_267 = arith.select %lt3A_264, %add3A_149, %broadcast_in_dim3A_266 : vector<1x2048xi1>, vector<1x2048xf32>
    %reduce_sum3A_268 = vector.shape_cast %select_n3A_267 : vector<1x2048xf32> to vector<1x1x2048xf32>
    %reduce_sum3A_269 = arith.constant dense<0.000000e+00> : vector<1xf32>
    %reduce_sum3A_270 = vector.multi_reduction <add>, %reduce_sum3A_268, %reduce_sum3A_269 [1, 2] : vector<1x1x2048xf32> to vector<1xf32>
    %reduce_sum3A_271 = vector.shape_cast %reduce_sum3A_270 : vector<1xf32> to vector<1x1x1xf32>
    %reduce_sum3A_272 = vector.extract %reduce_sum3A_271[0, 0, 0] : f32 from vector<1x1x1xf32>
    %eq3A_273 = arith.constant 0 : i32
    %eq3A_274 = arith.cmpi eq, %arg0, %eq3A_273 : i32
    %convert_element_type3A_275 = arith.extui %eq3A_274 : i1 to i32
    %cond3A = arith.constant 0 : i32
    %cond3A_276 = arith.cmpi ne, %convert_element_type3A_275, %cond3A : i32
    scf.if %cond3A_276 {
      %swap3A_281 = arith.constant 0 : index
      %swap3A_282 = arith.constant 0 : index
      %swap3A_283 = memref.load %arg4[%swap3A_281, %swap3A_282] : memref<1x1xf32, #tpu.memory_space<smem>>
      memref.store %reduce_sum3A_272, %arg4[%swap3A_281, %swap3A_282] : memref<1x1xf32, #tpu.memory_space<smem>>
    } else {
    }
    %ne3A = arith.constant 0 : i32
    %ne3A_277 = arith.cmpi ne, %arg0, %ne3A : i32
    %convert_element_type3A_278 = arith.extui %ne3A_277 : i1 to i32
    %cond3A_279 = arith.constant 0 : i32
    %cond3A_280 = arith.cmpi ne, %convert_element_type3A_278, %cond3A_279 : i32
    scf.if %cond3A_280 {
      %get3A_281 = arith.constant 0 : index
      %get3A_282 = arith.constant 0 : index
      %get3A_283 = memref.load %arg4[%get3A_281, %get3A_282] : memref<1x1xf32, #tpu.memory_space<smem>>
      %add3A_284 = arith.addf %get3A_283, %reduce_sum3A_272 : f32
      %swap3A_285 = arith.constant 0 : index
      %swap3A_286 = arith.constant 0 : index
      %swap3A_287 = memref.load %arg4[%swap3A_285, %swap3A_286] : memref<1x1xf32, #tpu.memory_space<smem>>
      memref.store %add3A_284, %arg4[%swap3A_285, %swap3A_286] : memref<1x1xf32, #tpu.memory_space<smem>>
    } else {
    }
    return
  }
  func.func @transform_0(%arg0: i32) -> (i32, i32) {
    %c0_i32 = arith.constant 0 : i32
    %c0_i32_0 = arith.constant 0 : i32
    return %c0_i32, %arg0 : i32, i32
  }
  func.func @transform_1(%arg0: i32) -> (i32, i32) {
    %c0_i32 = arith.constant 0 : i32
    %c0_i32_0 = arith.constant 0 : i32
    %c0_i32_1 = arith.constant 0 : i32
    return %c0_i32, %c0_i32_0 : i32, i32
  }
  func.func @transform_2(%arg0: i32) -> (i32, i32) {
    %c0_i32 = arith.constant 0 : i32
    %c0_i32_0 = arith.constant 0 : i32
    return %c0_i32, %arg0 : i32, i32
  }
  func.func @transform_3(%arg0: i32) -> (i32, i32) {
    %c0_i32 = arith.constant 0 : i32
    %c0_i32_0 = arith.constant 0 : i32
    %c0_i32_1 = arith.constant 0 : i32
    return %c0_i32, %c0_i32_0 : i32, i32
  }
}

module attributes {stable_mosaic.version = 14 : i64} {
  func.func @_p2_body(%arg0: i32, %arg1: memref<3x2048xf32, #tpu.memory_space<vmem>>, %arg2: memref<16x2048xi32, #tpu.memory_space<vmem>>, %arg3: memref<1x1xf32, #tpu.memory_space<smem>>, %arg4: memref<512x3xf32, #tpu.memory_space<vmem>>, %arg5: memref<512x3xf32, #tpu.memory_space<vmem>>, %arg6: memref<3x2048xf32, #tpu.memory_space<vmem>>, %arg7: memref<1x2048xf32, #tpu.memory_space<vmem>>, %arg8: memref<1x2048xf32, #tpu.memory_space<vmem>>, %arg9: memref<3x3xf32, #tpu.memory_space<vmem>>, %arg10: memref<4x4xf32, #tpu.memory_space<vmem>>, %arg11: memref<1x2048xi32, #tpu.memory_space<vmem>>, %arg12: memref<1x2048xf32, #tpu.memory_space<vmem>>, %arg13: memref<1x2048xf32, #tpu.memory_space<vmem>>, %arg14: memref<1x2048xf32, #tpu.memory_space<vmem>>, %arg15: memref<1x2048xf32, #tpu.memory_space<vmem>>) attributes {dimension_semantics = [#tpu.dimension_semantics<arbitrary>], iteration_bounds = array<i64: 49>, scalar_prefetch = 0 : i64, scratch_operands = 0 : i64, tpu.core_type = #tpu.core_type<tc>, window_params = [{transform_indices = @transform_0, window_bounds = array<i64: 3, 2048>}, {transform_indices = @transform_1, window_bounds = array<i64: 16, 2048>}, {transform_indices = @transform_2, window_bounds = array<i64: 1, 1>}, {pipeline_mode = #tpu.pipeline_mode<synchronous>, transform_indices = @transform_3, window_bounds = array<i64: 512, 3>}, {pipeline_mode = #tpu.pipeline_mode<synchronous>, transform_indices = @transform_4, window_bounds = array<i64: 512, 3>}, {transform_indices = @transform_5, window_bounds = array<i64: 3, 2048>}, {transform_indices = @transform_6, window_bounds = array<i64: 1, 2048>}, {transform_indices = @transform_7, window_bounds = array<i64: 1, 2048>}, {pipeline_mode = #tpu.pipeline_mode<synchronous>, transform_indices = @transform_8, window_bounds = array<i64: 3, 3>}, {pipeline_mode = #tpu.pipeline_mode<synchronous>, transform_indices = @transform_9, window_bounds = array<i64: 4, 4>}, {transform_indices = @transform_10, window_bounds = array<i64: 1, 2048>}, {transform_indices = @transform_11, window_bounds = array<i64: 1, 2048>}, {transform_indices = @transform_12, window_bounds = array<i64: 1, 2048>}, {transform_indices = @transform_13, window_bounds = array<i64: 1, 2048>}, {transform_indices = @transform_14, window_bounds = array<i64: 1, 2048>}]} {
    %get3A = arith.constant 0 : index
    %get3A_0 = arith.constant 0 : index
    %get3A_1 = vector.load %arg1[%get3A, %get3A_0] : memref<3x2048xf32, #tpu.memory_space<vmem>>, vector<3x2048xf32>
    %get3A_2 = arith.constant 0 : index
    %get3A_3 = arith.constant 0 : index
    %get3A_4 = vector.load %arg4[%get3A_2, %get3A_3] : memref<512x3xf32, #tpu.memory_space<vmem>>, vector<512x3xf32>
    %mul3A = arith.mulf %get3A_1, %get3A_1 : vector<3x2048xf32>
    %reduce_sum3A = arith.constant dense<0.000000e+00> : vector<2048xf32>
    %reduce_sum3A_5 = vector.multi_reduction <add>, %mul3A, %reduce_sum3A [0] : vector<3x2048xf32> to vector<2048xf32>
    %broadcast_in_dim3A = vector.shape_cast %reduce_sum3A_5 : vector<2048xf32> to vector<1x2048xf32>
    %mul3A_6 = arith.mulf %get3A_4, %get3A_4 : vector<512x3xf32>
    %reduce_sum3A_7 = arith.constant dense<0.000000e+00> : vector<512xf32>
    %reduce_sum3A_8 = vector.multi_reduction <add>, %mul3A_6, %reduce_sum3A_7 [1] : vector<512x3xf32> to vector<512xf32>
    %broadcast_in_dim3A_9 = vector.shape_cast %reduce_sum3A_8 : vector<512xf32> to vector<512x1xf32>
    %dot_general3A = arith.constant dense<0.000000e+00> : vector<512x2048xf32>
    %dot_general3A_10 = tpu.matmul %get3A_4, %get3A_1, %dot_general3A {dimension_numbers = #tpu.dot_dimension_numbers<[1], [0], [0], [1], [0, 0, 1, 1], [], []>, transpose_lhs_hint = false} : vector<512x3xf32>, vector<3x2048xf32>, vector<512x2048xf32> -> vector<512x2048xf32>
    %add3A = vector.broadcast %broadcast_in_dim3A : vector<1x2048xf32> to vector<512x2048xf32>
    %add3A_11 = vector.broadcast %broadcast_in_dim3A_9 : vector<512x1xf32> to vector<512x2048xf32>
    %add3A_12 = arith.addf %add3A, %add3A_11 : vector<512x2048xf32>
    %mul3A_13 = arith.constant 2.000000e+00 : f32
    %mul3A_14 = vector.broadcast %mul3A_13 : f32 to vector<512x2048xf32>
    %mul3A_15 = arith.mulf %mul3A_14, %dot_general3A_10 : vector<512x2048xf32>
    %sub3A = arith.subf %add3A_12, %mul3A_15 : vector<512x2048xf32>
    %max3A = arith.constant 0.000000e+00 : f32
    %max3A_16 = vector.broadcast %max3A : f32 to vector<512x2048xf32>
    %max3A_17 = arith.maximumf %sub3A, %max3A_16 : vector<512x2048xf32>
    %sqrt3A = math.sqrt %max3A_17 : vector<512x2048xf32>
    %max3A_18 = arith.constant 9.99999997E-7 : f32
    %max3A_19 = vector.broadcast %max3A_18 : f32 to vector<512x2048xf32>
    %max3A_20 = arith.maximumf %sqrt3A, %max3A_19 : vector<512x2048xf32>
    %get3A_21 = arith.constant 0 : index
    %get3A_22 = arith.constant 0 : index
    %get3A_23 = memref.load %arg3[%get3A_21, %get3A_22] : memref<1x1xf32, #tpu.memory_space<smem>>
    %div3A = arith.constant 8.000000e+05 : f32
    %div3A_24 = arith.divf %get3A_23, %div3A : f32
    %add3A_25 = arith.constant 9.99999997E-7 : f32
    %add3A_26 = arith.addf %div3A_24, %add3A_25 : f32
    %get3A_27 = arith.constant 0 : index
    %get3A_28 = arith.constant 0 : index
    %get3A_29 = vector.load %arg2[%get3A_27, %get3A_28] : memref<16x2048xi32, #tpu.memory_space<vmem>>, vector<16x2048xi32>
    %iota3A = tpu.iota {dimensions = array<i32: 0>} : vector<32x1xi32>
    %slice3A = vector.extract_strided_slice %get3A_29 {offsets = [0, 0], sizes = [1, 2048], strides = [1, 1]} : vector<16x2048xi32> to vector<1x2048xi32>
    %broadcast_in_dim3A_30 = vector.shape_cast %slice3A : vector<1x2048xi32> to vector<1x2048xi32>
    %broadcast_in_dim3A_31 = vector.broadcast %broadcast_in_dim3A_30 : vector<1x2048xi32> to vector<32x2048xi32>
    %shift_right_arithmetic3A = vector.broadcast %iota3A : vector<32x1xi32> to vector<32x2048xi32>
    %shift_right_arithmetic3A_32 = arith.shrsi %broadcast_in_dim3A_31, %shift_right_arithmetic3A : vector<32x2048xi32>
    %and3A = arith.constant 1 : i32
    %and3A_33 = vector.broadcast %and3A : i32 to vector<32x2048xi32>
    %and3A_34 = arith.andi %shift_right_arithmetic3A_32, %and3A_33 : vector<32x2048xi32>
    %slice3A_35 = vector.extract_strided_slice %get3A_29 {offsets = [1, 0], sizes = [1, 2048], strides = [1, 1]} : vector<16x2048xi32> to vector<1x2048xi32>
    %broadcast_in_dim3A_36 = vector.shape_cast %slice3A_35 : vector<1x2048xi32> to vector<1x2048xi32>
    %broadcast_in_dim3A_37 = vector.broadcast %broadcast_in_dim3A_36 : vector<1x2048xi32> to vector<32x2048xi32>
    %shift_right_arithmetic3A_38 = vector.broadcast %iota3A : vector<32x1xi32> to vector<32x2048xi32>
    %shift_right_arithmetic3A_39 = arith.shrsi %broadcast_in_dim3A_37, %shift_right_arithmetic3A_38 : vector<32x2048xi32>
    %and3A_40 = arith.constant 1 : i32
    %and3A_41 = vector.broadcast %and3A_40 : i32 to vector<32x2048xi32>
    %and3A_42 = arith.andi %shift_right_arithmetic3A_39, %and3A_41 : vector<32x2048xi32>
    %slice3A_43 = vector.extract_strided_slice %get3A_29 {offsets = [2, 0], sizes = [1, 2048], strides = [1, 1]} : vector<16x2048xi32> to vector<1x2048xi32>
    %broadcast_in_dim3A_44 = vector.shape_cast %slice3A_43 : vector<1x2048xi32> to vector<1x2048xi32>
    %broadcast_in_dim3A_45 = vector.broadcast %broadcast_in_dim3A_44 : vector<1x2048xi32> to vector<32x2048xi32>
    %shift_right_arithmetic3A_46 = vector.broadcast %iota3A : vector<32x1xi32> to vector<32x2048xi32>
    %shift_right_arithmetic3A_47 = arith.shrsi %broadcast_in_dim3A_45, %shift_right_arithmetic3A_46 : vector<32x2048xi32>
    %and3A_48 = arith.constant 1 : i32
    %and3A_49 = vector.broadcast %and3A_48 : i32 to vector<32x2048xi32>
    %and3A_50 = arith.andi %shift_right_arithmetic3A_47, %and3A_49 : vector<32x2048xi32>
    %slice3A_51 = vector.extract_strided_slice %get3A_29 {offsets = [3, 0], sizes = [1, 2048], strides = [1, 1]} : vector<16x2048xi32> to vector<1x2048xi32>
    %broadcast_in_dim3A_52 = vector.shape_cast %slice3A_51 : vector<1x2048xi32> to vector<1x2048xi32>
    %broadcast_in_dim3A_53 = vector.broadcast %broadcast_in_dim3A_52 : vector<1x2048xi32> to vector<32x2048xi32>
    %shift_right_arithmetic3A_54 = vector.broadcast %iota3A : vector<32x1xi32> to vector<32x2048xi32>
    %shift_right_arithmetic3A_55 = arith.shrsi %broadcast_in_dim3A_53, %shift_right_arithmetic3A_54 : vector<32x2048xi32>
    %and3A_56 = arith.constant 1 : i32
    %and3A_57 = vector.broadcast %and3A_56 : i32 to vector<32x2048xi32>
    %and3A_58 = arith.andi %shift_right_arithmetic3A_55, %and3A_57 : vector<32x2048xi32>
    %slice3A_59 = vector.extract_strided_slice %get3A_29 {offsets = [4, 0], sizes = [1, 2048], strides = [1, 1]} : vector<16x2048xi32> to vector<1x2048xi32>
    %broadcast_in_dim3A_60 = vector.shape_cast %slice3A_59 : vector<1x2048xi32> to vector<1x2048xi32>
    %broadcast_in_dim3A_61 = vector.broadcast %broadcast_in_dim3A_60 : vector<1x2048xi32> to vector<32x2048xi32>
    %shift_right_arithmetic3A_62 = vector.broadcast %iota3A : vector<32x1xi32> to vector<32x2048xi32>
    %shift_right_arithmetic3A_63 = arith.shrsi %broadcast_in_dim3A_61, %shift_right_arithmetic3A_62 : vector<32x2048xi32>
    %and3A_64 = arith.constant 1 : i32
    %and3A_65 = vector.broadcast %and3A_64 : i32 to vector<32x2048xi32>
    %and3A_66 = arith.andi %shift_right_arithmetic3A_63, %and3A_65 : vector<32x2048xi32>
    %slice3A_67 = vector.extract_strided_slice %get3A_29 {offsets = [5, 0], sizes = [1, 2048], strides = [1, 1]} : vector<16x2048xi32> to vector<1x2048xi32>
    %broadcast_in_dim3A_68 = vector.shape_cast %slice3A_67 : vector<1x2048xi32> to vector<1x2048xi32>
    %broadcast_in_dim3A_69 = vector.broadcast %broadcast_in_dim3A_68 : vector<1x2048xi32> to vector<32x2048xi32>
    %shift_right_arithmetic3A_70 = vector.broadcast %iota3A : vector<32x1xi32> to vector<32x2048xi32>
    %shift_right_arithmetic3A_71 = arith.shrsi %broadcast_in_dim3A_69, %shift_right_arithmetic3A_70 : vector<32x2048xi32>
    %and3A_72 = arith.constant 1 : i32
    %and3A_73 = vector.broadcast %and3A_72 : i32 to vector<32x2048xi32>
    %and3A_74 = arith.andi %shift_right_arithmetic3A_71, %and3A_73 : vector<32x2048xi32>
    %slice3A_75 = vector.extract_strided_slice %get3A_29 {offsets = [6, 0], sizes = [1, 2048], strides = [1, 1]} : vector<16x2048xi32> to vector<1x2048xi32>
    %broadcast_in_dim3A_76 = vector.shape_cast %slice3A_75 : vector<1x2048xi32> to vector<1x2048xi32>
    %broadcast_in_dim3A_77 = vector.broadcast %broadcast_in_dim3A_76 : vector<1x2048xi32> to vector<32x2048xi32>
    %shift_right_arithmetic3A_78 = vector.broadcast %iota3A : vector<32x1xi32> to vector<32x2048xi32>
    %shift_right_arithmetic3A_79 = arith.shrsi %broadcast_in_dim3A_77, %shift_right_arithmetic3A_78 : vector<32x2048xi32>
    %and3A_80 = arith.constant 1 : i32
    %and3A_81 = vector.broadcast %and3A_80 : i32 to vector<32x2048xi32>
    %and3A_82 = arith.andi %shift_right_arithmetic3A_79, %and3A_81 : vector<32x2048xi32>
    %slice3A_83 = vector.extract_strided_slice %get3A_29 {offsets = [7, 0], sizes = [1, 2048], strides = [1, 1]} : vector<16x2048xi32> to vector<1x2048xi32>
    %broadcast_in_dim3A_84 = vector.shape_cast %slice3A_83 : vector<1x2048xi32> to vector<1x2048xi32>
    %broadcast_in_dim3A_85 = vector.broadcast %broadcast_in_dim3A_84 : vector<1x2048xi32> to vector<32x2048xi32>
    %shift_right_arithmetic3A_86 = vector.broadcast %iota3A : vector<32x1xi32> to vector<32x2048xi32>
    %shift_right_arithmetic3A_87 = arith.shrsi %broadcast_in_dim3A_85, %shift_right_arithmetic3A_86 : vector<32x2048xi32>
    %and3A_88 = arith.constant 1 : i32
    %and3A_89 = vector.broadcast %and3A_88 : i32 to vector<32x2048xi32>
    %and3A_90 = arith.andi %shift_right_arithmetic3A_87, %and3A_89 : vector<32x2048xi32>
    %slice3A_91 = vector.extract_strided_slice %get3A_29 {offsets = [8, 0], sizes = [1, 2048], strides = [1, 1]} : vector<16x2048xi32> to vector<1x2048xi32>
    %broadcast_in_dim3A_92 = vector.shape_cast %slice3A_91 : vector<1x2048xi32> to vector<1x2048xi32>
    %broadcast_in_dim3A_93 = vector.broadcast %broadcast_in_dim3A_92 : vector<1x2048xi32> to vector<32x2048xi32>
    %shift_right_arithmetic3A_94 = vector.broadcast %iota3A : vector<32x1xi32> to vector<32x2048xi32>
    %shift_right_arithmetic3A_95 = arith.shrsi %broadcast_in_dim3A_93, %shift_right_arithmetic3A_94 : vector<32x2048xi32>
    %and3A_96 = arith.constant 1 : i32
    %and3A_97 = vector.broadcast %and3A_96 : i32 to vector<32x2048xi32>
    %and3A_98 = arith.andi %shift_right_arithmetic3A_95, %and3A_97 : vector<32x2048xi32>
    %slice3A_99 = vector.extract_strided_slice %get3A_29 {offsets = [9, 0], sizes = [1, 2048], strides = [1, 1]} : vector<16x2048xi32> to vector<1x2048xi32>
    %broadcast_in_dim3A_100 = vector.shape_cast %slice3A_99 : vector<1x2048xi32> to vector<1x2048xi32>
    %broadcast_in_dim3A_101 = vector.broadcast %broadcast_in_dim3A_100 : vector<1x2048xi32> to vector<32x2048xi32>
    %shift_right_arithmetic3A_102 = vector.broadcast %iota3A : vector<32x1xi32> to vector<32x2048xi32>
    %shift_right_arithmetic3A_103 = arith.shrsi %broadcast_in_dim3A_101, %shift_right_arithmetic3A_102 : vector<32x2048xi32>
    %and3A_104 = arith.constant 1 : i32
    %and3A_105 = vector.broadcast %and3A_104 : i32 to vector<32x2048xi32>
    %and3A_106 = arith.andi %shift_right_arithmetic3A_103, %and3A_105 : vector<32x2048xi32>
    %slice3A_107 = vector.extract_strided_slice %get3A_29 {offsets = [10, 0], sizes = [1, 2048], strides = [1, 1]} : vector<16x2048xi32> to vector<1x2048xi32>
    %broadcast_in_dim3A_108 = vector.shape_cast %slice3A_107 : vector<1x2048xi32> to vector<1x2048xi32>
    %broadcast_in_dim3A_109 = vector.broadcast %broadcast_in_dim3A_108 : vector<1x2048xi32> to vector<32x2048xi32>
    %shift_right_arithmetic3A_110 = vector.broadcast %iota3A : vector<32x1xi32> to vector<32x2048xi32>
    %shift_right_arithmetic3A_111 = arith.shrsi %broadcast_in_dim3A_109, %shift_right_arithmetic3A_110 : vector<32x2048xi32>
    %and3A_112 = arith.constant 1 : i32
    %and3A_113 = vector.broadcast %and3A_112 : i32 to vector<32x2048xi32>
    %and3A_114 = arith.andi %shift_right_arithmetic3A_111, %and3A_113 : vector<32x2048xi32>
    %slice3A_115 = vector.extract_strided_slice %get3A_29 {offsets = [11, 0], sizes = [1, 2048], strides = [1, 1]} : vector<16x2048xi32> to vector<1x2048xi32>
    %broadcast_in_dim3A_116 = vector.shape_cast %slice3A_115 : vector<1x2048xi32> to vector<1x2048xi32>
    %broadcast_in_dim3A_117 = vector.broadcast %broadcast_in_dim3A_116 : vector<1x2048xi32> to vector<32x2048xi32>
    %shift_right_arithmetic3A_118 = vector.broadcast %iota3A : vector<32x1xi32> to vector<32x2048xi32>
    %shift_right_arithmetic3A_119 = arith.shrsi %broadcast_in_dim3A_117, %shift_right_arithmetic3A_118 : vector<32x2048xi32>
    %and3A_120 = arith.constant 1 : i32
    %and3A_121 = vector.broadcast %and3A_120 : i32 to vector<32x2048xi32>
    %and3A_122 = arith.andi %shift_right_arithmetic3A_119, %and3A_121 : vector<32x2048xi32>
    %slice3A_123 = vector.extract_strided_slice %get3A_29 {offsets = [12, 0], sizes = [1, 2048], strides = [1, 1]} : vector<16x2048xi32> to vector<1x2048xi32>
    %broadcast_in_dim3A_124 = vector.shape_cast %slice3A_123 : vector<1x2048xi32> to vector<1x2048xi32>
    %broadcast_in_dim3A_125 = vector.broadcast %broadcast_in_dim3A_124 : vector<1x2048xi32> to vector<32x2048xi32>
    %shift_right_arithmetic3A_126 = vector.broadcast %iota3A : vector<32x1xi32> to vector<32x2048xi32>
    %shift_right_arithmetic3A_127 = arith.shrsi %broadcast_in_dim3A_125, %shift_right_arithmetic3A_126 : vector<32x2048xi32>
    %and3A_128 = arith.constant 1 : i32
    %and3A_129 = vector.broadcast %and3A_128 : i32 to vector<32x2048xi32>
    %and3A_130 = arith.andi %shift_right_arithmetic3A_127, %and3A_129 : vector<32x2048xi32>
    %slice3A_131 = vector.extract_strided_slice %get3A_29 {offsets = [13, 0], sizes = [1, 2048], strides = [1, 1]} : vector<16x2048xi32> to vector<1x2048xi32>
    %broadcast_in_dim3A_132 = vector.shape_cast %slice3A_131 : vector<1x2048xi32> to vector<1x2048xi32>
    %broadcast_in_dim3A_133 = vector.broadcast %broadcast_in_dim3A_132 : vector<1x2048xi32> to vector<32x2048xi32>
    %shift_right_arithmetic3A_134 = vector.broadcast %iota3A : vector<32x1xi32> to vector<32x2048xi32>
    %shift_right_arithmetic3A_135 = arith.shrsi %broadcast_in_dim3A_133, %shift_right_arithmetic3A_134 : vector<32x2048xi32>
    %and3A_136 = arith.constant 1 : i32
    %and3A_137 = vector.broadcast %and3A_136 : i32 to vector<32x2048xi32>
    %and3A_138 = arith.andi %shift_right_arithmetic3A_135, %and3A_137 : vector<32x2048xi32>
    %slice3A_139 = vector.extract_strided_slice %get3A_29 {offsets = [14, 0], sizes = [1, 2048], strides = [1, 1]} : vector<16x2048xi32> to vector<1x2048xi32>
    %broadcast_in_dim3A_140 = vector.shape_cast %slice3A_139 : vector<1x2048xi32> to vector<1x2048xi32>
    %broadcast_in_dim3A_141 = vector.broadcast %broadcast_in_dim3A_140 : vector<1x2048xi32> to vector<32x2048xi32>
    %shift_right_arithmetic3A_142 = vector.broadcast %iota3A : vector<32x1xi32> to vector<32x2048xi32>
    %shift_right_arithmetic3A_143 = arith.shrsi %broadcast_in_dim3A_141, %shift_right_arithmetic3A_142 : vector<32x2048xi32>
    %and3A_144 = arith.constant 1 : i32
    %and3A_145 = vector.broadcast %and3A_144 : i32 to vector<32x2048xi32>
    %and3A_146 = arith.andi %shift_right_arithmetic3A_143, %and3A_145 : vector<32x2048xi32>
    %slice3A_147 = vector.extract_strided_slice %get3A_29 {offsets = [15, 0], sizes = [1, 2048], strides = [1, 1]} : vector<16x2048xi32> to vector<1x2048xi32>
    %broadcast_in_dim3A_148 = vector.shape_cast %slice3A_147 : vector<1x2048xi32> to vector<1x2048xi32>
    %broadcast_in_dim3A_149 = vector.broadcast %broadcast_in_dim3A_148 : vector<1x2048xi32> to vector<32x2048xi32>
    %shift_right_arithmetic3A_150 = vector.broadcast %iota3A : vector<32x1xi32> to vector<32x2048xi32>
    %shift_right_arithmetic3A_151 = arith.shrsi %broadcast_in_dim3A_149, %shift_right_arithmetic3A_150 : vector<32x2048xi32>
    %and3A_152 = arith.constant 1 : i32
    %and3A_153 = vector.broadcast %and3A_152 : i32 to vector<32x2048xi32>
    %and3A_154 = arith.andi %shift_right_arithmetic3A_151, %and3A_153 : vector<32x2048xi32>
    %concatenate3A = tpu.concatenate %and3A_34, %and3A_42, %and3A_50, %and3A_58, %and3A_66, %and3A_74, %and3A_82, %and3A_90, %and3A_98, %and3A_106, %and3A_114, %and3A_122, %and3A_130, %and3A_138, %and3A_146, %and3A_154 in 0 : vector<32x2048xi32>, vector<32x2048xi32>, vector<32x2048xi32>, vector<32x2048xi32>, vector<32x2048xi32>, vector<32x2048xi32>, vector<32x2048xi32>, vector<32x2048xi32>, vector<32x2048xi32>, vector<32x2048xi32>, vector<32x2048xi32>, vector<32x2048xi32>, vector<32x2048xi32>, vector<32x2048xi32>, vector<32x2048xi32>, vector<32x2048xi32> -> vector<512x2048xi32>
    %eq3A = arith.constant 1 : i32
    %eq3A_155 = vector.broadcast %eq3A : i32 to vector<512x2048xi32>
    %eq3A_156 = arith.cmpi eq, %concatenate3A, %eq3A_155 : vector<512x2048xi32>
    %jit3A = arith.constant 0x7F800000 : f32
    %broadcast_in_dim3A_157 = vector.broadcast %jit3A : f32 to vector<512x2048xf32>
    %select_n3A = arith.select %eq3A_156, %max3A_20, %broadcast_in_dim3A_157 : vector<512x2048xi1>, vector<512x2048xf32>
    %reduce_min3A = arith.constant dense<0x7F800000> : vector<2048xf32>
    %reduce_min3A_158 = vector.multi_reduction <minimumf>, %select_n3A, %reduce_min3A [0] : vector<512x2048xf32> to vector<2048xf32>
    %broadcast_in_dim3A_159 = vector.shape_cast %reduce_min3A_158 : vector<2048xf32> to vector<1x2048xf32>
    %sub3A_160 = vector.broadcast %broadcast_in_dim3A_159 : vector<1x2048xf32> to vector<512x2048xf32>
    %sub3A_161 = arith.subf %sub3A_160, %max3A_20 : vector<512x2048xf32>
    %div3A_162 = vector.broadcast %add3A_26 : f32 to vector<512x2048xf32>
    %div3A_163 = arith.divf %sub3A_161, %div3A_162 : vector<512x2048xf32>
    %exp3A = math.exp %div3A_163 : vector<512x2048xf32>
    %jit3A_164 = arith.constant 0.000000e+00 : f32
    %broadcast_in_dim3A_165 = vector.broadcast %jit3A_164 : f32 to vector<512x2048xf32>
    %select_n3A_166 = arith.select %eq3A_156, %exp3A, %broadcast_in_dim3A_165 : vector<512x2048xi1>, vector<512x2048xf32>
    %reduce_sum3A_167 = arith.constant dense<0.000000e+00> : vector<2048xf32>
    %reduce_sum3A_168 = vector.multi_reduction <add>, %select_n3A_166, %reduce_sum3A_167 [0] : vector<512x2048xf32> to vector<2048xf32>
    %broadcast_in_dim3A_169 = vector.shape_cast %reduce_sum3A_168 : vector<2048xf32> to vector<1x2048xf32>
    %div3A_170 = vector.broadcast %broadcast_in_dim3A_169 : vector<1x2048xf32> to vector<512x2048xf32>
    %div3A_171 = arith.divf %select_n3A_166, %div3A_170 : vector<512x2048xf32>
    %get3A_172 = arith.constant 0 : index
    %get3A_173 = arith.constant 0 : index
    %get3A_174 = vector.load %arg5[%get3A_172, %get3A_173] : memref<512x3xf32, #tpu.memory_space<vmem>>, vector<512x3xf32>
    %slice3A_175 = vector.extract_strided_slice %get3A_174 {offsets = [0, 0], sizes = [512, 1], strides = [1, 1]} : vector<512x3xf32> to vector<512x1xf32>
    %mul3A_176 = vector.broadcast %slice3A_175 : vector<512x1xf32> to vector<512x2048xf32>
    %mul3A_177 = arith.mulf %div3A_171, %mul3A_176 : vector<512x2048xf32>
    %reduce_sum3A_178 = arith.constant dense<0.000000e+00> : vector<2048xf32>
    %reduce_sum3A_179 = vector.multi_reduction <add>, %mul3A_177, %reduce_sum3A_178 [0] : vector<512x2048xf32> to vector<2048xf32>
    %broadcast_in_dim3A_180 = vector.shape_cast %reduce_sum3A_179 : vector<2048xf32> to vector<1x2048xf32>
    %slice3A_181 = vector.extract_strided_slice %get3A_174 {offsets = [0, 1], sizes = [512, 1], strides = [1, 1]} : vector<512x3xf32> to vector<512x1xf32>
    %mul3A_182 = vector.broadcast %slice3A_181 : vector<512x1xf32> to vector<512x2048xf32>
    %mul3A_183 = arith.mulf %div3A_171, %mul3A_182 : vector<512x2048xf32>
    %reduce_sum3A_184 = arith.constant dense<0.000000e+00> : vector<2048xf32>
    %reduce_sum3A_185 = vector.multi_reduction <add>, %mul3A_183, %reduce_sum3A_184 [0] : vector<512x2048xf32> to vector<2048xf32>
    %broadcast_in_dim3A_186 = vector.shape_cast %reduce_sum3A_185 : vector<2048xf32> to vector<1x2048xf32>
    %slice3A_187 = vector.extract_strided_slice %get3A_174 {offsets = [0, 2], sizes = [512, 1], strides = [1, 1]} : vector<512x3xf32> to vector<512x1xf32>
    %mul3A_188 = vector.broadcast %slice3A_187 : vector<512x1xf32> to vector<512x2048xf32>
    %mul3A_189 = arith.mulf %div3A_171, %mul3A_188 : vector<512x2048xf32>
    %reduce_sum3A_190 = arith.constant dense<0.000000e+00> : vector<2048xf32>
    %reduce_sum3A_191 = vector.multi_reduction <add>, %mul3A_189, %reduce_sum3A_190 [0] : vector<512x2048xf32> to vector<2048xf32>
    %broadcast_in_dim3A_192 = vector.shape_cast %reduce_sum3A_191 : vector<2048xf32> to vector<1x2048xf32>
    %slice3A_193 = vector.extract_strided_slice %get3A_1 {offsets = [0, 0], sizes = [1, 2048], strides = [1, 1]} : vector<3x2048xf32> to vector<1x2048xf32>
    %add3A_194 = arith.addf %slice3A_193, %broadcast_in_dim3A_180 : vector<1x2048xf32>
    %slice3A_195 = vector.extract_strided_slice %get3A_1 {offsets = [1, 0], sizes = [1, 2048], strides = [1, 1]} : vector<3x2048xf32> to vector<1x2048xf32>
    %add3A_196 = arith.addf %slice3A_195, %broadcast_in_dim3A_186 : vector<1x2048xf32>
    %slice3A_197 = vector.extract_strided_slice %get3A_1 {offsets = [2, 0], sizes = [1, 2048], strides = [1, 1]} : vector<3x2048xf32> to vector<1x2048xf32>
    %add3A_198 = arith.addf %slice3A_197, %broadcast_in_dim3A_192 : vector<1x2048xf32>
    %concatenate3A_199 = tpu.concatenate %add3A_194, %add3A_196, %add3A_198 in 0 : vector<1x2048xf32>, vector<1x2048xf32>, vector<1x2048xf32> -> vector<3x2048xf32>
    %get3A_200 = arith.constant 0 : index
    %get3A_201 = arith.constant 0 : index
    %get3A_202 = vector.load %arg10[%get3A_200, %get3A_201] : memref<4x4xf32, #tpu.memory_space<vmem>>, vector<4x4xf32>
    %slice3A_203 = vector.extract_strided_slice %get3A_202 {offsets = [0, 0], sizes = [3, 3], strides = [1, 1]} : vector<4x4xf32> to vector<3x3xf32>
    %slice3A_204 = vector.extract_strided_slice %get3A_202 {offsets = [0, 3], sizes = [3, 1], strides = [1, 1]} : vector<4x4xf32> to vector<3x1xf32>
    %dot_general3A_205 = arith.constant dense<0.000000e+00> : vector<3x2048xf32>
    %dot_general3A_206 = tpu.matmul %slice3A_203, %concatenate3A_199, %dot_general3A_205 {dimension_numbers = #tpu.dot_dimension_numbers<[1], [0], [0], [1], [0, 0, 1, 1], [], []>, transpose_lhs_hint = false} : vector<3x3xf32>, vector<3x2048xf32>, vector<3x2048xf32> -> vector<3x2048xf32>
    %add3A_207 = vector.broadcast %slice3A_204 : vector<3x1xf32> to vector<3x2048xf32>
    %add3A_208 = arith.addf %dot_general3A_206, %add3A_207 : vector<3x2048xf32>
    %get3A_209 = arith.constant 0 : index
    %get3A_210 = arith.constant 0 : index
    %get3A_211 = vector.load %arg9[%get3A_209, %get3A_210] : memref<3x3xf32, #tpu.memory_space<vmem>>, vector<3x3xf32>
    %dot_general3A_212 = arith.constant dense<0.000000e+00> : vector<3x2048xf32>
    %dot_general3A_213 = tpu.matmul %get3A_211, %add3A_208, %dot_general3A_212 {dimension_numbers = #tpu.dot_dimension_numbers<[1], [0], [0], [1], [0, 0, 1, 1], [], []>, transpose_lhs_hint = false} : vector<3x3xf32>, vector<3x2048xf32>, vector<3x2048xf32> -> vector<3x2048xf32>
    %slice3A_214 = vector.extract_strided_slice %dot_general3A_213 {offsets = [2, 0], sizes = [1, 2048], strides = [1, 1]} : vector<3x2048xf32> to vector<1x2048xf32>
    %max3A_215 = arith.constant 1.000000e-03 : f32
    %max3A_216 = vector.broadcast %max3A_215 : f32 to vector<1x2048xf32>
    %max3A_217 = arith.maximumf %slice3A_214, %max3A_216 : vector<1x2048xf32>
    %slice3A_218 = vector.extract_strided_slice %dot_general3A_213 {offsets = [0, 0], sizes = [1, 2048], strides = [1, 1]} : vector<3x2048xf32> to vector<1x2048xf32>
    %div3A_219 = arith.divf %slice3A_218, %max3A_217 : vector<1x2048xf32>
    %slice3A_220 = vector.extract_strided_slice %dot_general3A_213 {offsets = [1, 0], sizes = [1, 2048], strides = [1, 1]} : vector<3x2048xf32> to vector<1x2048xf32>
    %div3A_221 = arith.divf %slice3A_220, %max3A_217 : vector<1x2048xf32>
    %round3A = math.roundeven %div3A_219 : vector<1x2048xf32>
    %jit3A_222 = arith.constant 0.000000e+00 : f32
    %jit3A_223 = arith.constant 511 : i32
    %max3A_224 = vector.broadcast %jit3A_222 : f32 to vector<1x2048xf32>
    %max3A_225 = arith.maximumf %max3A_224, %round3A : vector<1x2048xf32>
    %convert_element_type3A = arith.sitofp %jit3A_223 : i32 to f32
    %min3A = vector.broadcast %convert_element_type3A : f32 to vector<1x2048xf32>
    %min3A_226 = arith.minimumf %min3A, %max3A_225 : vector<1x2048xf32>
    %convert_element_type3A_227 = arith.fptosi %min3A_226 : vector<1x2048xf32> to vector<1x2048xi32>
    %round3A_228 = math.roundeven %div3A_221 : vector<1x2048xf32>
    %jit3A_229 = arith.constant 0.000000e+00 : f32
    %jit3A_230 = arith.constant 511 : i32
    %max3A_231 = vector.broadcast %jit3A_229 : f32 to vector<1x2048xf32>
    %max3A_232 = arith.maximumf %max3A_231, %round3A_228 : vector<1x2048xf32>
    %convert_element_type3A_233 = arith.sitofp %jit3A_230 : i32 to f32
    %min3A_234 = vector.broadcast %convert_element_type3A_233 : f32 to vector<1x2048xf32>
    %min3A_235 = arith.minimumf %min3A_234, %max3A_232 : vector<1x2048xf32>
    %convert_element_type3A_236 = arith.fptosi %min3A_235 : vector<1x2048xf32> to vector<1x2048xi32>
    %mul3A_237 = arith.constant 512 : i32
    %mul3A_238 = vector.broadcast %mul3A_237 : i32 to vector<1x2048xi32>
    %mul3A_239 = arith.muli %convert_element_type3A_236, %mul3A_238 : vector<1x2048xi32>
    %add3A_240 = arith.addi %mul3A_239, %convert_element_type3A_227 : vector<1x2048xi32>
    %get3A_241 = arith.constant 0 : index
    %get3A_242 = arith.constant 0 : index
    %get3A_243 = vector.load %arg7[%get3A_241, %get3A_242] : memref<1x2048xf32, #tpu.memory_space<vmem>>, vector<1x2048xf32>
    %logistic3A = arith.negf %get3A_243 : vector<1x2048xf32>
    %logistic3A_244 = math.exp %logistic3A : vector<1x2048xf32>
    %logistic3A_245 = arith.constant 1.000000e+00 : f32
    %logistic3A_246 = vector.broadcast %logistic3A_245 : f32 to vector<1x2048xf32>
    %logistic3A_247 = arith.addf %logistic3A_246, %logistic3A_244 : vector<1x2048xf32>
    %logistic3A_248 = arith.divf %logistic3A_246, %logistic3A_247 : vector<1x2048xf32>
    %get3A_249 = arith.constant 0 : index
    %get3A_250 = arith.constant 0 : index
    %get3A_251 = vector.load %arg8[%get3A_249, %get3A_250] : memref<1x2048xf32, #tpu.memory_space<vmem>>, vector<1x2048xf32>
    %exp3A_252 = math.exp %get3A_251 : vector<1x2048xf32>
    %mul3A_253 = arith.mulf %logistic3A_248, %exp3A_252 : vector<1x2048xf32>
    %mul3A_254 = arith.mulf %max3A_217, %max3A_217 : vector<1x2048xf32>
    %div3A_255 = arith.divf %mul3A_253, %mul3A_254 : vector<1x2048xf32>
    %mul3A_256 = arith.constant 2048 : i32
    %mul3A_257 = arith.muli %arg0, %mul3A_256 : i32
    %iota3A_258 = tpu.iota {dimensions = array<i32: 1>} : vector<1x2048xi32>
    %add3A_259 = vector.broadcast %mul3A_257 : i32 to vector<1x2048xi32>
    %add3A_260 = arith.addi %add3A_259, %iota3A_258 : vector<1x2048xi32>
    %lt3A = arith.constant 100000 : i32
    %lt3A_261 = vector.broadcast %lt3A : i32 to vector<1x2048xi32>
    %lt3A_262 = arith.cmpi slt, %add3A_260, %lt3A_261 : vector<1x2048xi32>
    %jit3A_263 = arith.constant 0.000000e+00 : f32
    %broadcast_in_dim3A_264 = vector.broadcast %jit3A_263 : f32 to vector<1x2048xf32>
    %select_n3A_265 = arith.select %lt3A_262, %div3A_255, %broadcast_in_dim3A_264 : vector<1x2048xi1>, vector<1x2048xf32>
    %jit3A_266 = arith.constant 0 : i32
    %broadcast_in_dim3A_267 = vector.broadcast %jit3A_266 : i32 to vector<1x2048xi32>
    %select_n3A_268 = arith.select %lt3A_262, %add3A_240, %broadcast_in_dim3A_267 : vector<1x2048xi1>, vector<1x2048xi32>
    %swap3A = arith.constant 0 : index
    %swap3A_269 = arith.constant 0 : index
    %swap3A_270 = vector.load %arg11[%swap3A, %swap3A_269] : memref<1x2048xi32, #tpu.memory_space<vmem>>, vector<1x2048xi32>
    tpu.vector_store %arg11[%swap3A, %swap3A_269], %select_n3A_268 {strides = array<i32>} : memref<1x2048xi32, #tpu.memory_space<vmem>>, vector<1x2048xi32>,
    %get3A_271 = arith.constant 0 : index
    %get3A_272 = arith.constant 0 : index
    %get3A_273 = vector.load %arg6[%get3A_271, %get3A_272] : memref<3x2048xf32, #tpu.memory_space<vmem>>, vector<3x2048xf32>
    %logistic3A_274 = arith.negf %get3A_273 : vector<3x2048xf32>
    %logistic3A_275 = math.exp %logistic3A_274 : vector<3x2048xf32>
    %logistic3A_276 = arith.constant 1.000000e+00 : f32
    %logistic3A_277 = vector.broadcast %logistic3A_276 : f32 to vector<3x2048xf32>
    %logistic3A_278 = arith.addf %logistic3A_277, %logistic3A_275 : vector<3x2048xf32>
    %logistic3A_279 = arith.divf %logistic3A_277, %logistic3A_278 : vector<3x2048xf32>
    %slice3A_280 = vector.extract_strided_slice %logistic3A_279 {offsets = [0, 0], sizes = [1, 2048], strides = [1, 1]} : vector<3x2048xf32> to vector<1x2048xf32>
    %mul3A_281 = arith.mulf %slice3A_280, %select_n3A_265 : vector<1x2048xf32>
    %swap3A_282 = arith.constant 0 : index
    %swap3A_283 = arith.constant 0 : index
    %swap3A_284 = vector.load %arg12[%swap3A_282, %swap3A_283] : memref<1x2048xf32, #tpu.memory_space<vmem>>, vector<1x2048xf32>
    tpu.vector_store %arg12[%swap3A_282, %swap3A_283], %mul3A_281 {strides = array<i32>} : memref<1x2048xf32, #tpu.memory_space<vmem>>, vector<1x2048xf32>,
    %slice3A_285 = vector.extract_strided_slice %logistic3A_279 {offsets = [1, 0], sizes = [1, 2048], strides = [1, 1]} : vector<3x2048xf32> to vector<1x2048xf32>
    %mul3A_286 = arith.mulf %slice3A_285, %select_n3A_265 : vector<1x2048xf32>
    %swap3A_287 = arith.constant 0 : index
    %swap3A_288 = arith.constant 0 : index
    %swap3A_289 = vector.load %arg13[%swap3A_287, %swap3A_288] : memref<1x2048xf32, #tpu.memory_space<vmem>>, vector<1x2048xf32>
    tpu.vector_store %arg13[%swap3A_287, %swap3A_288], %mul3A_286 {strides = array<i32>} : memref<1x2048xf32, #tpu.memory_space<vmem>>, vector<1x2048xf32>,
    %slice3A_290 = vector.extract_strided_slice %logistic3A_279 {offsets = [2, 0], sizes = [1, 2048], strides = [1, 1]} : vector<3x2048xf32> to vector<1x2048xf32>
    %mul3A_291 = arith.mulf %slice3A_290, %select_n3A_265 : vector<1x2048xf32>
    %swap3A_292 = arith.constant 0 : index
    %swap3A_293 = arith.constant 0 : index
    %swap3A_294 = vector.load %arg14[%swap3A_292, %swap3A_293] : memref<1x2048xf32, #tpu.memory_space<vmem>>, vector<1x2048xf32>
    tpu.vector_store %arg14[%swap3A_292, %swap3A_293], %mul3A_291 {strides = array<i32>} : memref<1x2048xf32, #tpu.memory_space<vmem>>, vector<1x2048xf32>,
    %swap3A_295 = arith.constant 0 : index
    %swap3A_296 = arith.constant 0 : index
    %swap3A_297 = vector.load %arg15[%swap3A_295, %swap3A_296] : memref<1x2048xf32, #tpu.memory_space<vmem>>, vector<1x2048xf32>
    tpu.vector_store %arg15[%swap3A_295, %swap3A_296], %select_n3A_265 {strides = array<i32>} : memref<1x2048xf32, #tpu.memory_space<vmem>>, vector<1x2048xf32>,
    return
  }
  func.func @transform_0(%arg0: i32) -> (i32, i32) {
    %c0_i32 = arith.constant 0 : i32
    %c0_i32_0 = arith.constant 0 : i32
    return %c0_i32, %arg0 : i32, i32
  }
  func.func @transform_1(%arg0: i32) -> (i32, i32) {
    %c0_i32 = arith.constant 0 : i32
    %c0_i32_0 = arith.constant 0 : i32
    return %c0_i32, %arg0 : i32, i32
  }
  func.func @transform_2(%arg0: i32) -> (i32, i32) {
    %c0_i32 = arith.constant 0 : i32
    %c0_i32_0 = arith.constant 0 : i32
    %c0_i32_1 = arith.constant 0 : i32
    return %c0_i32, %c0_i32_0 : i32, i32
  }
  func.func @transform_3(%arg0: i32) -> (i32, i32) {
    %c0_i32 = arith.constant 0 : i32
    %c0_i32_0 = arith.constant 0 : i32
    %c0_i32_1 = arith.constant 0 : i32
    return %c0_i32, %c0_i32_0 : i32, i32
  }
  func.func @transform_4(%arg0: i32) -> (i32, i32) {
    %c0_i32 = arith.constant 0 : i32
    %c0_i32_0 = arith.constant 0 : i32
    %c0_i32_1 = arith.constant 0 : i32
    return %c0_i32, %c0_i32_0 : i32, i32
  }
  func.func @transform_5(%arg0: i32) -> (i32, i32) {
    %c0_i32 = arith.constant 0 : i32
    %c0_i32_0 = arith.constant 0 : i32
    return %c0_i32, %arg0 : i32, i32
  }
  func.func @transform_6(%arg0: i32) -> (i32, i32) {
    %c0_i32 = arith.constant 0 : i32
    %c0_i32_0 = arith.constant 0 : i32
    return %c0_i32, %arg0 : i32, i32
  }
  func.func @transform_7(%arg0: i32) -> (i32, i32) {
    %c0_i32 = arith.constant 0 : i32
    %c0_i32_0 = arith.constant 0 : i32
    return %c0_i32, %arg0 : i32, i32
  }
  func.func @transform_8(%arg0: i32) -> (i32, i32) {
    %c0_i32 = arith.constant 0 : i32
    %c0_i32_0 = arith.constant 0 : i32
    %c0_i32_1 = arith.constant 0 : i32
    return %c0_i32, %c0_i32_0 : i32, i32
  }
  func.func @transform_9(%arg0: i32) -> (i32, i32) {
    %c0_i32 = arith.constant 0 : i32
    %c0_i32_0 = arith.constant 0 : i32
    %c0_i32_1 = arith.constant 0 : i32
    return %c0_i32, %c0_i32_0 : i32, i32
  }
  func.func @transform_10(%arg0: i32) -> (i32, i32) {
    %c0_i32 = arith.constant 0 : i32
    %c0_i32_0 = arith.constant 0 : i32
    return %c0_i32, %arg0 : i32, i32
  }
  func.func @transform_11(%arg0: i32) -> (i32, i32) {
    %c0_i32 = arith.constant 0 : i32
    %c0_i32_0 = arith.constant 0 : i32
    return %c0_i32, %arg0 : i32, i32
  }
  func.func @transform_12(%arg0: i32) -> (i32, i32) {
    %c0_i32 = arith.constant 0 : i32
    %c0_i32_0 = arith.constant 0 : i32
    return %c0_i32, %arg0 : i32, i32
  }
  func.func @transform_13(%arg0: i32) -> (i32, i32) {
    %c0_i32 = arith.constant 0 : i32
    %c0_i32_0 = arith.constant 0 : i32
    return %c0_i32, %arg0 : i32, i32
  }
  func.func @transform_14(%arg0: i32) -> (i32, i32) {
    %c0_i32 = arith.constant 0 : i32
    %c0_i32_0 = arith.constant 0 : i32
    return %c0_i32, %arg0 : i32, i32
  }
}

</mosaic_0001>

<sc_bundles>
// kernel: kernel.5.cloned.1.call-start
scs
__scs_entry_jumppad:
0x0: {  	(pc) =	sbr.rel $0x88, $3  }
0x1: {  	(tag) =	ssettag $0x0;
	lr =	simm.s32 $0x1  }
0x2: {  	[smem:$0x3F98] =	sst lr;
	_ =	strace $0xD0000000  }
0x3: {  	_ = 	snop  }
0x4: {  	_ = 	snop  }
0x5: {  	_ = 	snop  }
0x6: {  	_ = 	snop  }
0x7: {  	_ = 	snop  }
__scs_overlays_trampoline_lowered:
0x8: {  	[smem:$0x3FA7] =	sst s0  }
0x9: {  	[smem:$0x3FA8] =	sst s1  }
0xa: {  	[smem:$0x3FA9] =	sst s2  }
0xb: {  	[smem:$0x3FAA] =	sst s3  }
0xc: {  	[smem:$0x3FAB] =	sst s4  }
0xd: {  	[smem:$0x3FAC] =	sst s5  }
0xe: {  	[smem:$0x3FAD] =	sst s6  }
0xf: {  	[smem:$0x3FAE] =	sst s7  }
0x10: {  	[smem:$0x3FAF] =	sst s8  }
0x11: {  	[smem:$0x3FB0] =	sst s9;
	s0 =	simm.s32 @!p0 $0x0  }
0x12: {  	s1 =	sld [smem:$0x3F96];
	s0 =	simm.s32 @p0 $0x1  }
0x13: {  	[smem:$0x3FB1] =	sst s0;
	s0 =	simm.s32 @!p1 $0x0  }
0x14: {  	s2 =	sld [smem:$0x3F95];
	s0 =	simm.s32 @p1 $0x1  }
0x15: {  	[smem:$0x3FB2] =	sst s0;
	s0 =	simm.s32 @!p2 $0x0  }
0x16: {  	s3 =	sld [smem:$0x3FDB];
	s0 =	simm.s32 @p2 $0x1  }
0x17: {  	s4 =	simm.s32 $0x1BF5;
	[smem:$0x3FB4] =	sst s0  }
0x18: {  	s0 =	sld [smem:$0x3F97];
	_ =	swait.ge [sflag:s4], $0x0  }
0x19: {  	s7 =	sld [smem:$0x3F98]  }
0x1a: {  	s8 =	sadd.s32 $0xFFFFE003, lr  }
0x1b: {  	s9 =	sadd.s32 $0xFFFFFEF7, lr;
	s5 =	simm.s32 $0xFFFFFFFF;
	p2 =	slt.u32 s8, $0xFFFFF086  }
0x1c: {  	p1 =	slt.u32 s9, $0xF7A;
	s5 =	simm.s32 @!p2 $0x0  }
0x1d: {  	s5 =	simm.s32 @p1 $0x1;
	p0 =	seq.s32 s7, s2  }
0x1e: {  	s7 =	smul.u32 @!p0 $0xF7A, s2;
	p2 =	seq.s32 @!p0 s5, $0x0  }
0x1f: {  	s9 =	smul.u32 $0xF7A, s1;
	s8 =	simm.s32 @!p0 $0x1BF5;
	p2 =	por !p2, p0  }
0x20: {  	[sflag:s8] =	ssyncset.s32 @!p0 $0xFFFFF086;
	s6 =	sadd.s32 @!p0 s3, s7;
	s7 =	simm.s32 @!p0 $0x108  }
0x21: {  	s3 =	sadd.s32 s3, s9;
	s6 =	sadd.s32 @!p0 $0x88, s6;
	s7 =	simm.s32 @p2 $0x1082  }
0x22: {  	[simem:s7], [sflag:s8] =	dma.local @!p0 [hbm:s6], $0xF7A  }
0x23: {  	s9 =	sor.u32 $0xD0000000, s2;
	s6 =	simm.s32 $0x108;
	_ =	swait.ge @!p0 [sflag:s8], $0x0  }
0x24: {  	s3 =	sadd.s32 $0x88, s3;
	s6 =	simm.s32 @!p1 $0x1082;
	[sflag:s4] =	ssyncset.s32 $0xFFFFF086  }
0x25: {  	[simem:s6], [sflag:s4] =	dma.local [hbm:s3], $0xF7A  }
0x26: {  	[smem:$0x3F98] =	sst s1;
	(tag) =	ssettag s2;
	_ =	strace s9  }
0x27: {  	s1 =	sld [smem:$0x3FA8]  }
0x28: {  	s2 =	sld [smem:$0x3FA9]  }
0x29: {  	s4 =	sld [smem:$0x3FAB]  }
0x2a: {  	p0 =	seq.s32 s5, $0x0;
	s5 =	sld [smem:$0x3FAC]  }
0x2b: {  	s6 =	sld [smem:$0x3FAD]  }
0x2c: {  	s7 =	sld [smem:$0x3FAE]  }
0x2d: {  	s3 =	simm.s32 $0x108;
	s8 =	sld [smem:$0x3FAF]  }
0x2e: {  	s3 =	simm.s32 @!p0 $0x1082;
	s9 =	sld [smem:$0x3FB0]  }
0x2f: {  	lr =	sadd.s32 s0, s3;
	s0 =	sld [smem:$0x3FA7]  }
0x30: {  	s3 =	sld [smem:$0x3FAA]  }
0x31: {  	[smem:$0x3FB3] =	sst s10  }
0x32: {  	s10 =	sld [smem:$0x3FB1];
	_ =	sdelay $0x3  }
0x33: {  	p0 =	seq.s32 s10, $0x1;
	s10 =	sld [smem:$0x3FB3];
	_ =	sdelay $0x3  }
0x34: {  	[smem:$0x3FB3] =	sst s10  }
0x35: {  	s10 =	sld [smem:$0x3FB2];
	_ =	sdelay $0x3  }
0x36: {  	p1 =	seq.s32 s10, $0x1;
	s10 =	sld [smem:$0x3FB3];
	_ =	sdelay $0x3  }
0x37: {  	[smem:$0x3FB3] =	sst s10  }
0x38: {  	s10 =	sld [smem:$0x3FB4]  }
0x39: {  	_ = 	snop;
	(pc) =	sbr.ind lr, $3  }
0x3a: {  	_ = 	snop  }
0x3b: {  	_ = 	snop  }
0x3c: {  	p2 =	seq.s32 s10, $0x1;
	s10 =	sld [smem:$0x3FB3]  }
0x3d: {  	_ =	shalt  }
0x3e: {  	_ =	shalt  }
0x3f: {  	_ =	shalt  }
0x40: {  	_ =	shalt  }
0x41: {  	_ =	shalt  }
0x42: {  	_ =	shalt  }
0x43: {  	_ =	shalt  }
0x44: {  	_ =	shalt  }
0x45: {  	_ =	shalt  }
0x46: {  	_ =	shalt  }
0x47: {  	_ =	shalt  }
0x48: {  	_ =	shalt  }
0x49: {  	_ =	shalt  }
0x4a: {  	_ =	shalt  }
0x4b: {  	_ =	shalt  }
0x4c: {  	_ =	shalt  }
0x4d: {  	_ =	shalt  }
0x4e: {  	_ =	shalt  }
0x4f: {  	_ =	shalt  }
0x50: {  	_ =	shalt  }
0x51: {  	_ =	shalt  }
0x52: {  	_ =	shalt  }
0x53: {  	_ =	shalt  }
0x54: {  	_ =	shalt  }
0x55: {  	_ =	shalt  }
0x56: {  	_ =	shalt  }
0x57: {  	_ =	shalt  }
0x58: {  	_ =	shalt  }
0x59: {  	_ =	shalt  }
0x5a: {  	_ =	shalt  }
0x5b: {  	_ =	shalt  }
0x5c: {  	_ =	shalt  }
0x5d: {  	_ =	shalt  }
0x5e: {  	_ =	shalt  }
0x5f: {  	_ =	shalt  }
0x60: {  	_ =	shalt  }
0x61: {  	_ =	shalt  }
0x62: {  	_ =	shalt  }
0x63: {  	_ =	shalt  }
0x64: {  	_ =	shalt  }
0x65: {  	_ =	shalt  }
0x66: {  	_ =	shalt  }
0x67: {  	_ =	shalt  }
0x68: {  	_ =	shalt  }
0x69: {  	_ =	shalt  }
0x6a: {  	_ =	shalt  }
0x6b: {  	_ =	shalt  }
0x6c: {  	_ =	shalt  }
0x6d: {  	_ =	shalt  }
0x6e: {  	_ =	shalt  }
0x6f: {  	_ =	shalt  }
0x70: {  	_ =	shalt  }
0x71: {  	_ =	shalt  }
0x72: {  	_ =	shalt  }
0x73: {  	_ =	shalt  }
0x74: {  	_ =	shalt  }
0x75: {  	_ =	shalt  }
0x76: {  	_ =	shalt  }
0x77: {  	_ =	shalt  }
0x78: {  	_ =	shalt  }
0x79: {  	_ =	shalt  }
0x7a: {  	_ =	shalt  }
0x7b: {  	_ =	shalt  }
0x7c: {  	_ =	shalt  }
0x7d: {  	_ =	shalt  }
0x7e: {  	_ =	shalt  }
0x7f: {  	_ =	shalt  }
0x80: {  	_ =	shalt  }
0x81: {  	_ =	shalt  }
0x82: {  	_ =	shalt  }
0x83: {  	_ =	shalt  }
0x84: {  	_ =	shalt  }
0x85: {  	_ =	shalt  }
0x86: {  	_ =	shalt  }
0x87: {  	_ =	shalt  }
.Lfunc_end0:
.L_simem_size_0:
called_computation_lowered:
.L_overlay_start_0:
0x88: {  	s2 =	sld [smem:$0x3FD9]  }
0x89: {  	s3 =	sld [smem:$0x3FFE];
	_ =	sdelay $0x1  }
0x8a: {  	s1 =	srdreg.scid  }
0x8b: {  	s0 =	sand.u32 $0x1, s1  }
0x8c: {  	s17 =	sshll.u32 s0, $0xA;
	s2 =	sadd.s32 s3, s2  }
0x8d: {  	s2 =	sadd.s32 s2, s17  }
0x8e: {  	[smem:$0x3FBF] =	sst s2  }
0x8f: {  	_ = 	snop  }
0x90: {  	s2 =	sld [smem:$0x3FD0];
	(tm) =	ssettm $0x1  }
0x91: {  	s18 =	sld [smem:$0x3FFB];
	_ =	sdelay $0x3  }
0x92: {  	_ =	strace s18  }
0x93: {  	s3 =	sld [smem:$0x3FFC];
	_ =	sdelay $0x3  }
0x94: {  	_ =	strace s3  }
0x95: {  	s3 =	sld [smem:$0x3FFD];
	_ =	sdelay $0x3  }
0x96: {  	_ =	strace s3  }
0x97: {  	_ =	strace $0x8FFFFFFF  }
0x98: {  	s19 =	sld [smem:$0x3FDB];
	_ =	sdelay $0x1  }
0x99: {  	s4 =	simm.s32 $_scs_section_size  }
0x9a: {  	s5 =	simm.s32 $_size__tile_overlayer_lowered;
	s6 =	simm.s32 $_tile_overlayer_lowered  }
0x9b: {  	s22 =	simm.s32 $0x1BFF;
	s21 =	sshll.u32 s6, $0x1;
	s3 =	sadd.s32 s4, s19  }
0x9c: {  	s7 =	simm.s32 $0x0;
	s20 =	sshll.u32 s5, $0x1;
	s5 =	sadd.s32 s21, s3  }
0x9d: {  	[timem:s7], [sflag:s22] =	dma.local [hbm:s5], s20  }
0x9e: {  	_ =	swait.ge [sflag:s22], s20  }
0x9f: {  	s4 =	ssub.s32 $0x0, s20;
	[sflag:s22] =	ssyncset.done $0x0  }
0xa0: {  	[sflag:s22] =	ssyncadd.s32 s4;
	_ =	sdelay $0x1  }
0xa1: {  	s23 =	simm.s32 $0x1B8B  }
0xa2: {  	_ =	swait.ge [sflag:s23], $0x1  }
0xa3: {  	[sflag:s23] =	ssyncset.done $0x0  }
0xa4: {  	s25 =	simm.s32 $0x1B8E;
	s24 =	sld [smem:$0x3FFE];
	[sflag:s23] =	ssyncadd.s32 $0xFFFFFFFF  }
0xa5: {  	s26 =	simm.s32 $execute0_lowered;
	[smem:$0x3FD2] =	sst s25  }
0xa6: {  	s5 =	sshll.u32 s26, $0x1;
	_ =	strace $0x80000046;
	[dreg:$0x1] =	wrdreg $0xFFFFFFFF  }
0xa7: {  	s28 =	simm.s32 $_size_execute0_lowered;
	s3 =	sadd.s32 s3, s5;
	[dreg:$0x0] =	wrdreg $0x0  }
0xa8: {  	s5 =	sshll.u32 s28, $0x1;
	[dreg:$0x2] =	wrdreg s3  }
0xa9: {  	[dreg:$0x3] =	wrdreg s5  }
0xaa: {  	[dreg:$0x4] =	wrdreg $0xC0  }
0xab: {  	_ =	task [dreg:s7], $0x5FFFF  }
0xac: {  	[dreg:$0x1] =	wrdreg $0xFFFFFFFF  }
0xad: {  	[dreg:$0x0] =	wrdreg $0x60  }
0xae: {  	[dreg:$0x2] =	wrdreg s2  }
0xaf: {  	[dreg:$0x3] =	wrdreg s24  }
0xb0: {  	[dreg:$0x4] =	wrdreg $0x9  }
0xb1: {  	_ =	task.clear_ibuf [dreg:s7], $0x5FFFF;
	_ =	strace $0x90000046  }
0xb2: {  	s29 =	simm.s32 $0x9;
	_ =	strace $0x80000048  }
0xb3: {  	_ =	swait.ge [sflag:s29], $0x1  }
0xb4: {  	[sflag:s29] =	ssyncadd.s32 $0xFFFFFFFF  }
0xb5: {  	_ =	strace $0x90000048  }
0xb6: {  	_ =	sfence  }
0xb7: {  	s30 =	sld [smem:$0x0];
	_ =	sdelay $0x2  }
0xb8: {  	s31 =	sshll.u32 s1, $0xD;
	s1 =	sshrl.u32 s1, $0x2  }
0xb9: {  	s3 =	sand.u32 $0x4000, s31;
	s1 =	sadd.s32 s1, s30  }
0xba: {  	s0 =	sor.u32 s3, s0;
	s1 =	sshll.u32 s1, $0x11  }
0xbb: {  	s0 =	sor.u32 s1, s0  }
0xbc: {  	s0 =	sadd.s32 $0x8F2B, s0  }
0xbd: {  	[sflag:s0] =	ssyncadd.remote.s32 $0x1  }
0xbe: {  	_ =	sfence.sel $0xFFFF  }
0xbf: {  	[dreg:$0x0] =	wrdreg $0xFFFFFFFF;
	(pc) =	sbr.abs _section_cstart, $3  }
0xc0: {  	[dreg:$0x1] =	wrdreg $0xFFFFFFFF  }
0xc1: {  	_ =	task.clear_ibuf [dreg:s7], $0x2FFFF;
	_ =	strace $0x9FFFFFFF  }
0xc2: {  	(tm) =	ssettm $0x7FFFFFFF  }
0xc3: {  	_ =	shalt  }
tec
execute0_lowered:
.L_overlay_start_1:
0x0: {  	(tag) =	ssettag $0x1  }
0x1: {  	s1 =	rddreg [dreg:$0x0]  }
0x2: {  	s3 =	rddreg [dreg:$0x1]  }
0x3: {  	s0 =	srdreg.scid;
	s4 =	simm.s32 $0x0;
	s2 =	stileid.u32  }
0x4: {  	s12 =	simm.s32 $0x80;
	s13 =	simm.s32 $0x400;
	s14 =	simm.s32 $0x800  }
0x5: {  	s15 =	simm.s32 $0x1000;
	s16 =	simm.s32 $0x1800;
	s17 =	simm.s32 $0x2000  }
0x6: {  	s18 =	simm.s32 $0x1;
	s19 =	simm.s32 $0x2800;
	s20 =	simm.s32 $0x4800  }
0x7: {  	s21 =	simm.s32 $0x6800;
	s22 =	simm.s32 $0x8800;
	s23 =	simm.s32 $0x200  }
0x8: {  	s25 =	simm.s32 $0x2;
	s26 =	simm.s32 $0xC800;
	s28 =	simm.s32 $0xE800  }
0x9: {  	s0 =	sand.u32 $0x1, s0;
	[smem:$0x7FF] =	sst s4;
	s2 =	sshll.u32 s2, $0xE  }
0xa: {  	s5 =	sadd.s32 $0x3800, s3;
	s6 =	sshll.u32 s0, $0xD;
	s0 =	ssub.s32 $0x2, s0  }
0xb: {  	s7 =	sadd.s32 $0xA800, s3;
	s2 =	sor.u32 s6, s2;
	s31 =	sshrl.u32 s0, $0x1  }
0xc: {  	_ =	strace $0x80000047;
	s8 =	sshrl.u32 s2, $0x1;
	s0 =	ssub.s32 s0, s31  }
0xd: {  	s6 =	sadd.s32 $0x7000, s3;
	s10 =	sadd.s32 s8, s3;
	s11 =	smax.u32 s0, $0x1  }
0xe: {  	v1 =	vimm.f32 $0.0e+00;
	v0 =	vmov s2;
	s8 =	sadd.s32 $0xE000, s10;
	s9 =	sadd.s32 $0xE010, s10;
	s10 =	sadd.s32 $0xE020, s10  }
.LBB2_1:
0xf: {  	s2 =	simm.s32 $0x40;
	s0 =	simm.s32 $0x0  }
.LBB2_2:
0x10: {  	p0 =	sne.s32 s2, $0x7FC0;
	[tilespmem:s0+$0x8800] =	vst v1;
	s29 =	smov.u32 s2;
	s2 =	sadd.s32 $0x40, s2  }
.Ltmp0:
0x11: {  	[tilespmem:s0+$0x6800] =	vst v1;
	(pc) =	sbr.rel @p0 .LBB2_2-.Ltmp0, $3  }
0x12: {  	[tilespmem:s0+$0x2800] =	vst v1  }
0x13: {  	[tilespmem:s0+$0x4800] =	vst v1;
	_ =	sdelay $0x1  }
0x14: {  	s0 =	sshra.s32 s29, $0x2  }
0x15: {  	[tilespmem:s0+$0x8800] =	vst v1  }
0x16: {  	[tilespmem:s0+$0x6800] =	vst v1  }
0x17: {  	[tilespmem:s0+$0x2800] =	vst v1  }
0x18: {  	s29 =	simm.s32 $0x0;
	[tilespmem:s0+$0x4800] =	vst v1;
	s30 =	simm.s32 $0x0  }
.LBB2_4:
0x19: {  	s0 =	sshll.u32 s30, $0x8;
	s2 =	sshll.u32 s30, $0x4  }
0x1a: {  	s0 =	sand.u32 $0x3800, s0;
	s2 =	sand.u32 $0x70, s2  }
0x1b: {  	s0 =	sor.u32 s2, s0  }
0x1c: {  	s2 =	sadd.s32 s1, s0  }
0x1d: {  	[tilespmem:s29], [sflag:$0x1] =	stream.strided.gather [hbm4b:s2+s12], $0x800, s13, s12, $0x38;
	[tilespmem:$0x10800] =	vst v63  }
0x1e: {  	s24 =	sadd.s32 s5, s0  }
0x1f: {  	[tilespmem:s14], [sflag:$0x1] =	stream.strided.gather [hbm4b:s24+s12], $0x800, s13, s12, $0x38;
	[tilespmem:$0x10800] =	vst v63  }
0x20: {  	s24 =	sadd.s32 s6, s0  }
0x21: {  	[tilespmem:s15], [sflag:$0x1] =	stream.strided.gather [hbm4b:s24+s12], $0x800, s13, s12, $0x38;
	[tilespmem:$0x10800] =	vst v63  }
0x22: {  	s24 =	sadd.s32 s7, s0  }
0x23: {  	[tilespmem:s16], [sflag:$0x1] =	stream.strided.gather [hbm4b:s24+s12], $0x800, s13, s12, $0x38;
	[tilespmem:$0x10800] =	vst v63  }
0x24: {  	s0 =	sadd.s32 s3, s0  }
0x25: {  	[tilespmem:s17], [sflag:$0x1] =	stream.strided.gather [hbm4b:s0+s12], $0x800, s13, s12, $0x38;
	[tilespmem:$0x10800] =	vst v63  }
0x26: {  	_ =	swait.ge [sflag:s18], $0x800  }
0x27: {  	[sflag:s18] =	ssyncset.done $0x0  }
0x28: {  	[sflag:s18] =	ssyncadd.s32 $0xFFFFF800  }
0x29: {  	_ =	swait.ge [sflag:s18], $0x800  }
0x2a: {  	[sflag:s18] =	ssyncset.done $0x0  }
0x2b: {  	[sflag:s18] =	ssyncadd.s32 $0xFFFFF800  }
0x2c: {  	_ =	swait.ge [sflag:s18], $0x800  }
0x2d: {  	[sflag:s18] =	ssyncset.done $0x0  }
0x2e: {  	[sflag:s18] =	ssyncadd.s32 $0xFFFFF800  }
0x2f: {  	_ =	swait.ge [sflag:s18], $0x800  }
0x30: {  	[sflag:s18] =	ssyncset.done $0x0  }
0x31: {  	[sflag:s18] =	ssyncadd.s32 $0xFFFFF800  }
0x32: {  	_ =	swait.ge [sflag:s18], $0x800  }
0x33: {  	[sflag:s18] =	ssyncset.done $0x0  }
0x34: {  	s31 =	simm.s32 $0x40;
	s0 =	simm.s32 $0x0;
	[sflag:s18] =	ssyncadd.s32 $0xFFFFF800  }
.LBB2_5:
0x35: {  	p0 =	sne.s32 s31, $0x1FC0;
	v2 =	vld [tilespmem:s0+$0x0]  }
0x36: {  	v3 =	vld [tilespmem:s0+$0x800];
	_ =	sdelay $0x3  }
0x37: {  	v2 =	vsub.s32 v2, v0  }
0x38: {  	vm0 =	vlt.u32 v2, $0x2000  }
0x39: {  	v2 =	vnsel vm0, $0x0, v2;
	_ =	sdelay $0x4  }
0x3a: {  	[tilespmem:v2+s19+$0x0] =	vst.idx.add.f32.msk vm0, v3  }
0x3b: {  	v3 =	vld [tilespmem:s0+$0x1000];
	_ =	sdelay $0x4  }
0x3c: {  	[tilespmem:v2+s20+$0x0] =	vst.idx.add.f32.msk vm0, v3  }
0x3d: {  	v3 =	vld [tilespmem:s0+$0x1800];
	_ =	sdelay $0x4  }
0x3e: {  	[tilespmem:v2+s21+$0x0] =	vst.idx.add.f32.msk vm0, v3  }
0x3f: {  	v3 =	vld [tilespmem:s0+$0x2000]  }
.Ltmp1:
0x40: {  	(pc) =	sbr.rel @p0 .LBB2_5-.Ltmp1, $2  }
0x41: {  	_ =	sdelay $0x2  }
0x42: {  	s0 =	sshra.s32 s31, $0x2;
	s31 =	sadd.s32 $0x40, s31;
	[tilespmem:v2+s22+$0x0] =	vst.idx.add.f32.msk vm0, v3  }
0x43: {  	v2 =	vld [tilespmem:s0+$0x0];
	_ =	sdelay $0x4  }
0x44: {  	v2 =	vsub.s32 v2, v0  }
0x45: {  	vm0 =	vlt.u32 v2, $0x2000  }
0x46: {  	v3 =	vld [tilespmem:s0+$0x800];
	v2 =	vnsel vm0, $0x0, v2;
	_ =	sdelay $0x4  }
0x47: {  	[tilespmem:v2+s19+$0x0] =	vst.idx.add.f32.msk vm0, v3  }
0x48: {  	v3 =	vld [tilespmem:s0+$0x1000];
	_ =	sdelay $0x4  }
0x49: {  	[tilespmem:v2+s20+$0x0] =	vst.idx.add.f32.msk vm0, v3  }
0x4a: {  	v3 =	vld [tilespmem:s0+$0x1800];
	_ =	sdelay $0x4  }
0x4b: {  	s30 =	sadd.s32 $0x1, s30;
	[tilespmem:v2+s21+$0x0] =	vst.idx.add.f32.msk vm0, v3  }
0x4c: {  	p0 =	sne.s32 s30, $0x31;
	v3 =	vld [tilespmem:s0+$0x2000]  }
.Ltmp2:
0x4d: {  	_ = 	snop;
	(pc) =	sbr.rel @p0 .LBB2_4-.Ltmp2, $2  }
0x4e: {  	_ =	sdelay $0x2  }
0x4f: {  	[tilespmem:v2+s22+$0x0] =	vst.idx.add.f32.msk vm0, v3  }
0x50: {  	s0 =	simm.s32 $0x0  }
0x51: {  	v3 =	vld [tilespmem:s0+$0x8800];
	_ =	sdelay $0x4  }
0x52: {  	s29 =	simm.s32 $0x10;
	v2 =	vadd.f32 $9.999999970e-07, v3  }
0x53: {  	v11 =	vld [tilespmem:s29+$0x8800]  }
0x54: {  	(erf) = vrcp.f32 v2;
	_ =	sdelay $0x2  }
0x55: {  	v5 =	vld [tilespmem:s0+$0x2800]  }
0x56: {  	s30 =	simm.s32 $0x20;
	v12 =	vld [tilespmem:s0+$0x4800];
	v2 =	vadd.f32 $9.999999970e-07, v11  }
0x57: {  	v7 =	vld [tilespmem:s30+$0x8800]  }
0x58: {  	v6 =	vld [tilespmem:s29+$0x2800];
	(erf) = vrcp.f32 v2  }
0x59: {  	v10 =	vld [tilespmem:s0+$0x6800]  }
0x5a: {  	v8 =	vld [tilespmem:s29+$0x4800];
	v4 =	vmax.f32 v3, $0.0e+00  }
0x5b: {  	v3 =	vld [tilespmem:s30+$0x4800];
	v4 =	vmin.f32 v4, $1.000000000e+00;
	v9 =	vpop (erf)  }
0x5c: {  	s31 =	simm.s32 $0x30;
	v15 =	vadd.f32 $9.999999970e-07, v7;
	v2 =	vld [tilespmem:s30+$0x2800];
	v13 =	vmul.f32 v9, v4  }
0x5d: {  	v9 =	vld [tilespmem:s31+$0x8800]  }
0x5e: {  	(erf) = vrcp.f32 v15;
	v4 =	vld [tilespmem:s31+$0x2800];
	v14 =	vmul.f32 v10, v13  }
0x5f: {  	v10 =	vld [tilespmem:s29+$0x6800];
	v16 =	vmul.f32 v13, v5  }
0x60: {  	v5 =	vld [tilespmem:s31+$0x4800];
	[tilespmem:s0+$0xE800] =	vst v14;
	v14 =	vmax.f32 v11, $0.0e+00;
	v11 =	vmul.f32 v13, v12  }
0x61: {  	s2 =	simm.s32 $0x100;
	v13 =	vpop (erf);
	[tilespmem:s0+$0xA800] =	vst v16;
	v12 =	vmin.f32 v14, $1.000000000e+00  }
.LBB2_8:
0x62: {  	s24 =	sshra.s32 s2, $0x2;
	p0 =	sne.s32 s2, $0x7FC0;
	s2 =	sadd.s32 $0x40, s2;
	v14 =	vadd.f32 $9.999999970e-07, v9;
	v12 =	vmul.f32 v13, v12;
	[tilespmem:s0+$0xC800] =	vst v11;
	v13 =	vmov v9  }
.Ltmp3:
0x63: {  	s0 =	smov.u32 s29;
	s29 =	smov.u32 s30;
	v9 =	vld [tilespmem:s24+$0x8800];
	v15 =	vmov v4;
	(pc) =	sbr.rel @p0 .LBB2_8-.Ltmp3, $4  }
0x64: {  	s30 =	smov.u32 s31;
	s31 =	smov.u32 s24;
	v4 =	vld [tilespmem:s24+$0x2800];
	(erf) = vrcp.f32 v14;
	v14 =	vmul.f32 v10, v12  }
0x65: {  	v16 =	vmul.f32 v12, v6;
	v11 =	vmul.f32 v12, v8;
	v6 =	vmovc v2;
	v2 =	vmovc v15;
	v8 =	vmov v3;
	v10 =	vld [tilespmem:s29+$0x6800]  }
0x66: {  	v12 =	vmax.f32 v7, $0.0e+00;
	v7 =	vmov v13;
	v3 =	vmov v5;
	[tilespmem:s0+$0xE800] =	vst v14;
	v5 =	vld [tilespmem:s31+$0x4800]  }
0x67: {  	v12 =	vmin.f32 v12, $1.000000000e+00;
	v13 =	vpop (erf);
	[tilespmem:s0+$0xA800] =	vst v16  }
0x68: {  	v14 =	vadd.f32 $9.999999970e-07, v9;
	_ =	sdelay $0x1  }
0x69: {  	v12 =	vmul.f32 v13, v12;
	(erf) = vrcp.f32 v14;
	_ =	sdelay $0x1  }
0x6a: {  	v10 =	vmul.f32 v10, v12  }
0x6b: {  	[tilespmem:s0+$0xC800] =	vst v11;
	v6 =	vmul.f32 v12, v6  }
0x6c: {  	v11 =	vld [tilespmem:s30+$0x6800];
	v8 =	vmul.f32 v12, v8;
	[tilespmem:s29+$0xE800] =	vst v10  }
0x6d: {  	v7 =	vmax.f32 v7, $0.0e+00;
	[tilespmem:s29+$0xA800] =	vst v6  }
0x6e: {  	v57 =	vmin.f32 v7, $1.000000000e+00;
	[tilespmem:s29+$0xC800] =	vst v8;
	v58 =	vpop (erf)  }
0x6f: {  	v59 =	vld [tilespmem:s31+$0x6800];
	v6 =	vmul.f32 v58, v57  }
0x70: {  	v60 =	vmax.f32 v9, $0.0e+00  }
0x71: {  	v8 =	vmin.f32 v60, $1.000000000e+00;
	v61 =	vmul.f32 v11, v6;
	v62 =	vpop (erf)  }
0x72: {  	v2 =	vmul.f32 v6, v2;
	v8 =	vmul.f32 v62, v8  }
0x73: {  	v3 =	vmul.f32 v6, v3;
	[tilespmem:s30+$0xE800] =	vst v61  }
0x74: {  	[tilespmem:s30+$0xA800] =	vst v2;
	v2 =	vmul.f32 v59, v8  }
0x75: {  	[tilespmem:s30+$0xC800] =	vst v3;
	v3 =	vmul.f32 v8, v4  }
0x76: {  	v63 =	vmul.f32 v8, v5;
	[tilespmem:s31+$0xE800] =	vst v2  }
0x77: {  	[tilespmem:s31+$0xA800] =	vst v3  }
0x78: {  	[tilespmem:s31+$0xC800] =	vst v63;
	s31 =	simm.s32 $0xA800  }
0x79: {  	[hbm4b:s8+s12] =	stream.strided.scatter [tilespmem:s31], [sflag:$0x2], $0x2000, s23, s12, $0x38;
	[tilespmem:$0x10800] =	vst v63  }
0x7a: {  	_ =	swait.ge [sflag:s25], $0x2000  }
0x7b: {  	[sflag:s25] =	ssyncset.done $0x0  }
0x7c: {  	[sflag:s25] =	ssyncadd.s32 $0xFFFFE000  }
0x7d: {  	[hbm4b:s9+s12] =	stream.strided.scatter [tilespmem:s26], [sflag:$0x2], $0x2000, s23, s12, $0x38;
	[tilespmem:$0x10800] =	vst v63  }
0x7e: {  	s4 =	sadd.s32 $0x1, s4;
	_ =	swait.ge [sflag:s25], $0x2000  }
0x7f: {  	p0 =	sne.s32 s4, s11;
	[sflag:s25] =	ssyncset.done $0x0  }
.Ltmp4:
0x80: {  	[sflag:s25] =	ssyncadd.s32 $0xFFFFE000;
	(pc) =	sbr.rel @p0 .LBB2_1-.Ltmp4, $4  }
0x81: {  	[hbm4b:s10+s12] =	stream.strided.scatter [tilespmem:s28], [sflag:$0x2], $0x2000, s23, s12, $0x38;
	[tilespmem:$0x10800] =	vst v63  }
0x82: {  	_ =	swait.ge [sflag:s25], $0x2000  }
0x83: {  	[sflag:s25] =	ssyncset.done $0x0  }
0x84: {  	[sflag:s25] =	ssyncadd.s32 $0xFFFFE000  }
0x85: {  	_ =	sfence.sel $0x180000  }
0x86: {  	[bflag:$0x0] =	sbarrier.arrive $0xFFFF  }
0x87: {  	_ =	strace $0x90000047  }
0x88: {  	s0 =	stileid.u32;
	[bflag:$0x2] =	sbarrier.arrive $0xFFFF  }
0x89: {  	p0 =	sne.s32 s0, $0x0;
	s0 =	rddreg [dreg:$0x2]  }
0x8a: {  	s0 =	sadd.s32 @!p0 $0x100000, s0  }
0x8b: {  	[sflag:s0] =	ssyncadd.tile.s32 @!p0 $0x1;
	_ =	shalt  }
.Lfunc_end2:
_tile_overlayer_lowered:
.L_overlay_start_2:
0x8c: {  	(tag) =	ssettag $0x2  }
0x8d: {  	s0 =	rddreg [dreg:$0x0];
	s2 =	stileid.u32  }
0x8e: {  	s1 =	rddreg [dreg:$0x1];
	p0 =	sne.s32 s2, $0x0  }
0x8f: {  	s3 =	rddreg [dreg:$0x2];
	[bflag:$0x3] =	sbarrier.arrive $0xFFFF;
	s2 =	simm.s32 @!p0 $0x1C02  }
0x90: {  	[timem:s3], [sflag:s2] =	dma.local @!p0 [hbm:s0], s1  }
0x91: {  	s0 =	simm.s32 @!p0 $0x2  }
0x92: {  	_ =	swait.ge @!p0 [sflag:s0], s1  }
0x93: {  	s1 =	ssub.s32 @!p0 $0x0, s1;
	[sflag:s0] =	ssyncset.done @!p0 $0x0  }
0x94: {  	[sflag:s0] =	ssyncadd.s32 @!p0 s1  }
0x95: {  	[bflag:$0x3] =	sbarrier.arrive $0xFFFF  }
0x96: {  	_ =	shalt  }

</sc_bundles>
